<compile_context>
chip_gen: v7x
topology: tpu7x:2x2x1
jax: 0.10.2.dev20260603
libtpu: 0.0.44.dev20260713+nightly
codegen_flags: <defaults>
</compile_context>

<pallas_src>
import functools

import jax
import jax.numpy as jnp
from jax import lax
from jax.experimental import pallas as pl
from jax.experimental.pallas import tpu as pltpu
from jax.experimental.pallas import tpu_sc as plsc

N_NODES = 100000
N_EDGES = 6400000
NUM_TYPES = 64
FACTOR = 0.125

ROWS = 8
CHUNK = ROWS * 128
N_CHUNKS = N_EDGES // CHUNK
NW = 32
ACC_PAD = 100352
TILE_SLICE = ACC_PAD // 16

_mesh = plsc.VectorSubcoreMesh(core_axis_name="c", subcore_axis_name="s")


@functools.partial(
    pl.kernel,
    mesh=_mesh,
    compiler_params=pltpu.CompilerParams(needs_layout_passes=False),
    out_type=jax.ShapeDtypeStruct((2, ACC_PAD), jnp.float32),
    scratch_types=[
        pltpu.VMEM((N_NODES,), jnp.int32),
        pltpu.VMEM((NUM_TYPES, NUM_TYPES), jnp.float32),
        pltpu.VMEM((2, CHUNK), jnp.int32),
        pltpu.VMEM((2, CHUNK), jnp.int32),
        pltpu.VMEM((2, CHUNK), jnp.float32),
        pltpu.VMEM((3, ROWS, 128), jnp.int32),
        pltpu.VMEM((3, ROWS, 128), jnp.float32),
        pltpu.VMEM_SHARED((ACC_PAD,), jnp.float32),
        pltpu.SemaphoreType.DMA,
        pltpu.SemaphoreType.DMA,
    ],
)
def _edge_scatter(edges_hbm, energy_hbm, species_hbm,
                  scales_hbm, zeros_hbm, out_hbm,
                  species_v, scales_v, c_in, n_in, e_in, c2, vals,
                  acc, in_sem, sc_sem):
    cid = lax.axis_index("c")
    sid = lax.axis_index("s")
    wid = sid * 2 + cid

    pltpu.sync_copy(zeros_hbm, acc.at[pl.ds(sid * TILE_SLICE, TILE_SLICE)])

    pltpu.sync_copy(species_hbm, species_v)
    pltpu.sync_copy(scales_hbm, scales_v)
    plsc.subcore_barrier()

    n_my_chunks = (N_CHUNKS - 1 - wid) // NW + 1

    def _start_inputs(t, q2):
        base = (wid + t * NW) * CHUNK
        pltpu.make_async_copy(edges_hbm.at[0, pl.ds(base, CHUNK)],
                              c_in.at[q2], in_sem).start()
        pltpu.make_async_copy(edges_hbm.at[1, pl.ds(base, CHUNK)],
                              n_in.at[q2], in_sem).start()
        pltpu.make_async_copy(energy_hbm.at[pl.ds(base, CHUNK)],
                              e_in.at[q2], in_sem).start()

    def _wait_inputs(t, q2):
        base = (wid + t * NW) * CHUNK
        pltpu.make_async_copy(edges_hbm.at[0, pl.ds(base, CHUNK)],
                              c_in.at[q2], in_sem).wait()
        pltpu.make_async_copy(edges_hbm.at[1, pl.ds(base, CHUNK)],
                              n_in.at[q2], in_sem).wait()
        pltpu.make_async_copy(energy_hbm.at[pl.ds(base, CHUNK)],
                              e_in.at[q2], in_sem).wait()

    def _drain_scatters(p3):
        for j in range(ROWS):
            pltpu.make_async_copy(
                vals.at[p3, j], acc.at[c2.at[p3, j]], sc_sem).wait()

    _start_inputs(0, 0)

    def _chunk(t, carry):
        p3 = lax.rem(t, 3)
        q2 = lax.rem(t, 2)
        @pl.when(t >= 2)
        def _():
            _drain_scatters(lax.rem(t + 1, 3))

        @pl.when(t + 1 < n_my_chunks)
        def _():
            _start_inputs(t + 1, 1 - q2)

        _wait_inputs(t, q2)

        @plsc.parallel_loop(0, CHUNK, 16, unroll=8)
        def _body(i):
            cc = c_in[q2, pl.ds(i, 16)]
            nn = n_in[q2, pl.ds(i, 16)]
            ee = e_in[q2, pl.ds(i, 16)]
            csp = plsc.load_gather(species_v, [cc])
            nsp = plsc.load_gather(species_v, [nn])
            s = plsc.load_gather(scales_v, [csp, nsp])
            j = lax.shift_right_logical(i, 7)
            sl = pl.ds(lax.bitwise_and(i, 127), 16)
            c2[p3, j, sl] = cc
            vals[p3, j, sl] = ee * s

        for j in range(ROWS):
            pltpu.async_copy(vals.at[p3, j], acc.at[c2.at[p3, j]],
                             sc_sem, add=True)
        return carry

    lax.fori_loop(0, n_my_chunks, _chunk, 0)
    _drain_scatters(lax.rem(n_my_chunks - 2, 3))
    _drain_scatters(lax.rem(n_my_chunks - 1, 3))

    plsc.subcore_barrier()
    pltpu.sync_copy(acc.at[pl.ds(sid * TILE_SLICE, TILE_SLICE)],
                    out_hbm.at[cid, pl.ds(sid * TILE_SLICE, TILE_SLICE)])


def _combine_body(p_ref, o_ref):
    o_ref[...] = (p_ref[0] + p_ref[1]) * FACTOR


_combine = pl.pallas_call(
    _combine_body,
    out_shape=jax.ShapeDtypeStruct((ACC_PAD,), jnp.float32),
)


@jax.jit
def kernel(edge_energy, edge_index, atom_types, per_edge_scales):
    energy = edge_energy.reshape(N_EDGES)
    species = atom_types.reshape(N_NODES)
    zeros = jnp.zeros((TILE_SLICE,), jnp.float32)
    partials = _edge_scatter(edge_index, energy, species,
                             per_edge_scales, zeros)
    summed = _combine(partials)
    return summed[:N_NODES].reshape(N_NODES, 1)

# --- scband reference (transcript-rebuilt; emitter-appended) ---
"""Pipeline reference for scband-edgewise-energy-sum-69088843924104 (READ-ONLY COPY).

The authoritative reference and input builder live on the scoring server;
editing this copy changes nothing except your own understanding.
"""

import jax, jax.numpy as jnp
import numpy as np

N_NODES = 100000
N_EDGES = 6400000
NUM_TYPES = 64
PER_EDGE_SPECIES_SCALE = 1.0
FACTOR = 1.0 / np.sqrt(64.0)


def setup_inputs(seed: int = 0) -> dict:
    key = jax.random.key(seed)
    k1, k2, k3 = jax.random.split(key, 3)
    edge_energy = jax.random.normal(k1, (N_EDGES, 1), dtype=jnp.float32)
    edge_index = jax.random.randint(k2, (2, N_EDGES), 0, N_NODES)
    atom_types = jax.random.randint(k3, (N_NODES, 1), 0, NUM_TYPES)
    # learned parameter: per-species-pair edge scales, init to per_edge_species_scale * ones
    per_edge_scales = PER_EDGE_SPECIES_SCALE * jnp.ones((NUM_TYPES, NUM_TYPES), dtype=jnp.float32)
    return {
        "edge_energy": edge_energy,
        "edge_index": edge_index,
        "atom_types": atom_types,
        "per_edge_scales": per_edge_scales,
    }


def reference(edge_energy, edge_index, atom_types, per_edge_scales):
    edge_center = edge_index[0]
    edge_neighbor = edge_index[1]
    species = jnp.squeeze(atom_types, axis=-1)
    center_species = species[edge_center]
    neighbor_species = species[edge_neighbor]
    # per-species-pair scale gather, broadcast over trailing feature dims
    scales = per_edge_scales[center_species, neighbor_species]
    scales = scales.reshape((-1,) + (1,) * (edge_energy.ndim - 1))
    scaled_edge_eng = edge_energy * scales
    # scatter-add edges into center nodes
    atom_eng = jax.ops.segment_sum(scaled_edge_eng, edge_center, num_segments=N_NODES)
    atom_eng = atom_eng * FACTOR
    return atom_eng

if __name__ == "__main__":
    import jax
    _d = setup_inputs()
    print(jax.jit(kernel)(*tuple(_d.values())))

</pallas_src>

<mosaic_0001>
#map = affine_map<(d0, d1) -> (0, 0)>
#map1 = affine_map<(d0, d1) -> (0)>
module attributes {stable_mosaic.version = 14 : i64} {
  func.func @_edge_scatter(%arg0: i32, %arg1: i32, %arg2: memref<2x6400000xi32, #tpu.memory_space<hbm>>, %arg3: memref<6400000xf32, #tpu.memory_space<hbm>>, %arg4: memref<100000xi32, #tpu.memory_space<hbm>>, %arg5: memref<64x64xf32, #tpu.memory_space<hbm>>, %arg6: memref<6272xf32, #tpu.memory_space<hbm>>, %arg7: memref<2x100352xf32, #tpu.memory_space<hbm>>, %arg8: memref<100000xi32, #tpu.memory_space<vmem>>, %arg9: memref<64x64xf32, #tpu.memory_space<vmem>>, %arg10: memref<2x1024xi32, #tpu.memory_space<vmem>>, %arg11: memref<2x1024xi32, #tpu.memory_space<vmem>>, %arg12: memref<2x1024xf32, #tpu.memory_space<vmem>>, %arg13: memref<3x8x128xi32, #tpu.memory_space<vmem>>, %arg14: memref<3x8x128xf32, #tpu.memory_space<vmem>>, %arg15: memref<100352xf32, #tpu.memory_space<vmem_shared>>, %arg16: memref<!tpu.dma_semaphore, #tpu.memory_space<semaphore_mem>>, %arg17: memref<!tpu.dma_semaphore, #tpu.memory_space<semaphore_mem>>) attributes {dimension_semantics = [#tpu.dimension_semantics<core_parallel>, #tpu.dimension_semantics<subcore_parallel>], iteration_bounds = array<i64: 2, 16>, scalar_prefetch = 0 : i64, scratch_operands = 10 : i64, tpu.core_type = #tpu.core_type<sc_vector_subcore>, window_params = [{transform_indices = #map}, {transform_indices = #map1}, {transform_indices = #map1}, {transform_indices = #map}, {transform_indices = #map1}, {transform_indices = #map}]} {
    %mul3A = arith.constant 2 : i32
    %mul3A_0 = arith.muli %arg1, %mul3A : i32
    %add3A = arith.addi %mul3A_0, %arg0 : i32
    %mul3A_1 = arith.constant 6272 : i32
    %mul3A_2 = arith.muli %arg1, %mul3A_1 : i32
    "tpu.region"() ({
      %run_scoped3A = tpu.sem_alloc : memref<!tpu.dma_semaphore, #tpu.memory_space<semaphore_mem>>
      %dma_start3A_240 = tpu.memref_slice %arg15[%mul3A_2] : memref<100352xf32, #tpu.memory_space<vmem_shared>> -> memref<6272xf32, #tpu.memory_space<vmem_shared>>
      tpu.enqueue_dma source(%arg6 : memref<6272xf32, #tpu.memory_space<hbm>>) target(%dma_start3A_240 : memref<6272xf32, #tpu.memory_space<vmem_shared>>) target_semaphore(%run_scoped3A : memref<!tpu.dma_semaphore, #tpu.memory_space<semaphore_mem>>)
      %dma_wait3A_241 = tpu.memref_slice %arg15[%mul3A_2] : memref<100352xf32, #tpu.memory_space<vmem_shared>> -> memref<6272xf32, #tpu.memory_space<vmem_shared>>
      tpu.wait_dma2 semaphore(%run_scoped3A : memref<!tpu.dma_semaphore, #tpu.memory_space<semaphore_mem>>) src(%arg6 : memref<6272xf32, #tpu.memory_space<hbm>>) dst(%dma_wait3A_241 : memref<6272xf32, #tpu.memory_space<vmem_shared>>)
      tpu.yield
    }) : () -> ()
    "tpu.region"() ({
      %run_scoped3A = tpu.sem_alloc : memref<!tpu.dma_semaphore, #tpu.memory_space<semaphore_mem>>
      tpu.enqueue_dma source(%arg4 : memref<100000xi32, #tpu.memory_space<hbm>>) target(%arg8 : memref<100000xi32, #tpu.memory_space<vmem>>) target_semaphore(%run_scoped3A : memref<!tpu.dma_semaphore, #tpu.memory_space<semaphore_mem>>)
      tpu.wait_dma2 semaphore(%run_scoped3A : memref<!tpu.dma_semaphore, #tpu.memory_space<semaphore_mem>>) src(%arg4 : memref<100000xi32, #tpu.memory_space<hbm>>) dst(%arg8 : memref<100000xi32, #tpu.memory_space<vmem>>)
      tpu.yield
    }) : () -> ()
    "tpu.region"() ({
      %run_scoped3A = tpu.sem_alloc : memref<!tpu.dma_semaphore, #tpu.memory_space<semaphore_mem>>
      tpu.enqueue_dma source(%arg5 : memref<64x64xf32, #tpu.memory_space<hbm>>) target(%arg9 : memref<64x64xf32, #tpu.memory_space<vmem>>) target_semaphore(%run_scoped3A : memref<!tpu.dma_semaphore, #tpu.memory_space<semaphore_mem>>)
      tpu.wait_dma2 semaphore(%run_scoped3A : memref<!tpu.dma_semaphore, #tpu.memory_space<semaphore_mem>>) src(%arg5 : memref<64x64xf32, #tpu.memory_space<hbm>>) dst(%arg9 : memref<64x64xf32, #tpu.memory_space<vmem>>)
      tpu.yield
    }) : () -> ()
    %barrier3A = arith.constant 0 : index
    tpu.barrier barrier_id(%barrier3A)
    %sub3A = arith.constant 6249 : i32
    %sub3A_3 = arith.subi %sub3A, %add3A : i32
    %jit3A = arith.constant 32 : i32
    %div3A = arith.divsi %sub3A_3, %jit3A : i32
    %sign3A = arith.constant 0 : i32
    %sign3A_4 = arith.cmpi sgt, %sub3A_3, %sign3A : i32
    %sign3A_5 = arith.extui %sign3A_4 : i1 to i32
    %sign3A_6 = arith.constant 0 : i32
    %sign3A_7 = arith.cmpi slt, %sub3A_3, %sign3A_6 : i32
    %sign3A_8 = arith.extui %sign3A_7 : i1 to i32
    %sign3A_9 = arith.subi %sign3A_5, %sign3A_8 : i32
    %sign3A_10 = arith.constant 0 : i32
    %sign3A_11 = arith.cmpi sgt, %jit3A, %sign3A_10 : i32
    %sign3A_12 = arith.extui %sign3A_11 : i1 to i32
    %sign3A_13 = arith.constant 0 : i32
    %sign3A_14 = arith.cmpi slt, %jit3A, %sign3A_13 : i32
    %sign3A_15 = arith.extui %sign3A_14 : i1 to i32
    %sign3A_16 = arith.subi %sign3A_12, %sign3A_15 : i32
    %ne3A = arith.cmpi ne, %sign3A_9, %sign3A_16 : i32
    %rem3A = arith.remsi %sub3A_3, %jit3A : i32
    %ne3A_17 = arith.constant 0 : i32
    %ne3A_18 = arith.cmpi ne, %rem3A, %ne3A_17 : i32
    %and3A = arith.andi %ne3A, %ne3A_18 : i1
    %sub3A_19 = arith.constant 1 : i32
    %sub3A_20 = arith.subi %div3A, %sub3A_19 : i32
    %select_n3A = arith.select %and3A, %sub3A_20, %div3A : i32
    %add3A_21 = arith.constant 1 : i32
    %add3A_22 = arith.addi %select_n3A, %add3A_21 : i32
    %add3A_23 = arith.constant 0 : i32
    %add3A_24 = arith.addi %add3A, %add3A_23 : i32
    %mul3A_25 = arith.constant 1024 : i32
    %mul3A_26 = arith.muli %add3A_24, %mul3A_25 : i32
    %dma_start3A = arith.constant 0 : i32
    %dma_start3A_27 = arith.constant 0 : i32
    %dma_start3A_28 = arith.constant 0 : i32
    %dma_start3A_29 = tpu.memref_slice %arg10[%dma_start3A_27, %dma_start3A_28] : memref<2x1024xi32, #tpu.memory_space<vmem>> -> memref<1x1024xi32, #tpu.memory_space<vmem>>
    %dma_start3A_30 = tpu.memref_squeeze %dma_start3A_29 : memref<1x1024xi32, #tpu.memory_space<vmem>> -> memref<1024xi32, #tpu.memory_space<vmem>>
    %dma_start3A_31 = tpu.memref_slice %arg2[%dma_start3A, %mul3A_26] : memref<2x6400000xi32, #tpu.memory_space<hbm>> -> memref<1x1024xi32, #tpu.memory_space<hbm>>
    %dma_start3A_32 = tpu.memref_squeeze %dma_start3A_31 : memref<1x1024xi32, #tpu.memory_space<hbm>> -> memref<1024xi32, #tpu.memory_space<hbm>>
    %dma_start3A_33 = arith.constant 0 : i32
    %dma_start3A_34 = tpu.memref_slice %arg10[%dma_start3A_27, %dma_start3A_33] : memref<2x1024xi32, #tpu.memory_space<vmem>> -> memref<1x1024xi32, #tpu.memory_space<vmem>>
    %dma_start3A_35 = tpu.memref_squeeze %dma_start3A_34 : memref<1x1024xi32, #tpu.memory_space<vmem>> -> memref<1024xi32, #tpu.memory_space<vmem>>
    %dma_start3A_36 = tpu.memref_slice %arg2[%dma_start3A, %mul3A_26] : memref<2x6400000xi32, #tpu.memory_space<hbm>> -> memref<1x1024xi32, #tpu.memory_space<hbm>>
    %dma_start3A_37 = tpu.memref_squeeze %dma_start3A_36 : memref<1x1024xi32, #tpu.memory_space<hbm>> -> memref<1024xi32, #tpu.memory_space<hbm>>
    tpu.enqueue_dma source(%dma_start3A_37 : memref<1024xi32, #tpu.memory_space<hbm>>) target(%dma_start3A_35 : memref<1024xi32, #tpu.memory_space<vmem>>) target_semaphore(%arg16 : memref<!tpu.dma_semaphore, #tpu.memory_space<semaphore_mem>>)
    %dma_start3A_38 = arith.constant 1 : i32
    %dma_start3A_39 = arith.constant 0 : i32
    %dma_start3A_40 = arith.constant 0 : i32
    %dma_start3A_41 = tpu.memref_slice %arg11[%dma_start3A_39, %dma_start3A_40] : memref<2x1024xi32, #tpu.memory_space<vmem>> -> memref<1x1024xi32, #tpu.memory_space<vmem>>
    %dma_start3A_42 = tpu.memref_squeeze %dma_start3A_41 : memref<1x1024xi32, #tpu.memory_space<vmem>> -> memref<1024xi32, #tpu.memory_space<vmem>>
    %dma_start3A_43 = tpu.memref_slice %arg2[%dma_start3A_38, %mul3A_26] : memref<2x6400000xi32, #tpu.memory_space<hbm>> -> memref<1x1024xi32, #tpu.memory_space<hbm>>
    %dma_start3A_44 = tpu.memref_squeeze %dma_start3A_43 : memref<1x1024xi32, #tpu.memory_space<hbm>> -> memref<1024xi32, #tpu.memory_space<hbm>>
    %dma_start3A_45 = arith.constant 0 : i32
    %dma_start3A_46 = tpu.memref_slice %arg11[%dma_start3A_39, %dma_start3A_45] : memref<2x1024xi32, #tpu.memory_space<vmem>> -> memref<1x1024xi32, #tpu.memory_space<vmem>>
    %dma_start3A_47 = tpu.memref_squeeze %dma_start3A_46 : memref<1x1024xi32, #tpu.memory_space<vmem>> -> memref<1024xi32, #tpu.memory_space<vmem>>
    %dma_start3A_48 = tpu.memref_slice %arg2[%dma_start3A_38, %mul3A_26] : memref<2x6400000xi32, #tpu.memory_space<hbm>> -> memref<1x1024xi32, #tpu.memory_space<hbm>>
    %dma_start3A_49 = tpu.memref_squeeze %dma_start3A_48 : memref<1x1024xi32, #tpu.memory_space<hbm>> -> memref<1024xi32, #tpu.memory_space<hbm>>
    tpu.enqueue_dma source(%dma_start3A_49 : memref<1024xi32, #tpu.memory_space<hbm>>) target(%dma_start3A_47 : memref<1024xi32, #tpu.memory_space<vmem>>) target_semaphore(%arg16 : memref<!tpu.dma_semaphore, #tpu.memory_space<semaphore_mem>>)
    %dma_start3A_50 = arith.constant 0 : i32
    %dma_start3A_51 = arith.constant 0 : i32
    %dma_start3A_52 = tpu.memref_slice %arg12[%dma_start3A_50, %dma_start3A_51] : memref<2x1024xf32, #tpu.memory_space<vmem>> -> memref<1x1024xf32, #tpu.memory_space<vmem>>
    %dma_start3A_53 = tpu.memref_squeeze %dma_start3A_52 : memref<1x1024xf32, #tpu.memory_space<vmem>> -> memref<1024xf32, #tpu.memory_space<vmem>>
    %dma_start3A_54 = tpu.memref_slice %arg3[%mul3A_26] : memref<6400000xf32, #tpu.memory_space<hbm>> -> memref<1024xf32, #tpu.memory_space<hbm>>
    %dma_start3A_55 = arith.constant 0 : i32
    %dma_start3A_56 = tpu.memref_slice %arg12[%dma_start3A_50, %dma_start3A_55] : memref<2x1024xf32, #tpu.memory_space<vmem>> -> memref<1x1024xf32, #tpu.memory_space<vmem>>
    %dma_start3A_57 = tpu.memref_squeeze %dma_start3A_56 : memref<1x1024xf32, #tpu.memory_space<vmem>> -> memref<1024xf32, #tpu.memory_space<vmem>>
    %dma_start3A_58 = tpu.memref_slice %arg3[%mul3A_26] : memref<6400000xf32, #tpu.memory_space<hbm>> -> memref<1024xf32, #tpu.memory_space<hbm>>
    tpu.enqueue_dma source(%dma_start3A_58 : memref<1024xf32, #tpu.memory_space<hbm>>) target(%dma_start3A_57 : memref<1024xf32, #tpu.memory_space<vmem>>) target_semaphore(%arg16 : memref<!tpu.dma_semaphore, #tpu.memory_space<semaphore_mem>>)
    %while3A = arith.constant 0 : i32
    %while3A_59 = arith.constant 0 : i32
    %while3A_60 = arith.subi %add3A_22, %while3A_59 : i32
    %while3A_61 = arith.addi %while3A_59, %while3A_60 : i32
    %while3A_62 = arith.constant 1 : i32
    %while3A_63 = arith.divsi %while3A_60, %while3A_62 : i32
    %while3A_64 = arith.muli %while3A_63, %while3A_62 : i32
    %while3A_65 = arith.addi %while3A_59, %while3A_64 : i32
    %while3A_66 = arith.constant 1 : i32
    scf.for %while3A_240 = %while3A_59 to %while3A_65 step %while3A_66  : i32 {
      %rem3A_241 = arith.constant 3 : i32
      %rem3A_242 = arith.remsi %while3A_240, %rem3A_241 : i32
      %rem3A_243 = arith.constant 2 : i32
      %rem3A_244 = arith.remsi %while3A_240, %rem3A_243 : i32
      %ge3A = arith.constant 2 : i32
      %ge3A_245 = arith.cmpi sge, %while3A_240, %ge3A : i32
      %convert_element_type3A = arith.extui %ge3A_245 : i1 to i32
      %cond3A = arith.constant 0 : i32
      %cond3A_246 = arith.cmpi ne, %convert_element_type3A, %cond3A : i32
      scf.if %cond3A_246 {
        %add3A_369 = arith.constant 1 : i32
        %add3A_370 = arith.addi %while3A_240, %add3A_369 : i32
        %rem3A_371 = arith.constant 3 : i32
        %rem3A_372 = arith.remsi %add3A_370, %rem3A_371 : i32
        %dma_wait3A_373 = arith.constant 0 : i32
        %dma_wait3A_374 = arith.constant 0 : i32
        %dma_wait3A_375 = arith.constant 0 : i32
        %dma_wait3A_376 = tpu.memref_slice %arg14[%rem3A_372, %dma_wait3A_373, %dma_wait3A_375] : memref<3x8x128xf32, #tpu.memory_space<vmem>> -> memref<1x1x128xf32, #tpu.memory_space<vmem>>
        %dma_wait3A_377 = tpu.memref_squeeze %dma_wait3A_376 : memref<1x1x128xf32, #tpu.memory_space<vmem>> -> memref<128xf32, #tpu.memory_space<vmem>>
        %dma_wait3A_378 = arith.constant 0 : i32
        %dma_wait3A_379 = tpu.memref_slice %arg13[%rem3A_372, %dma_wait3A_374, %dma_wait3A_378] : memref<3x8x128xi32, #tpu.memory_space<vmem>> -> memref<1x1x128xi32, #tpu.memory_space<vmem>>
        %dma_wait3A_380 = tpu.memref_squeeze %dma_wait3A_379 : memref<1x1x128xi32, #tpu.memory_space<vmem>> -> memref<128xi32, #tpu.memory_space<vmem>>
        %dma_wait3A_381 = arith.constant 0 : i32
        %dma_wait3A_382 = tpu.memref_slice %arg15[%dma_wait3A_381] : memref<100352xf32, #tpu.memory_space<vmem_shared>> -> memref<100352xf32, #tpu.memory_space<vmem_shared>>
        tpu.wait_indirect_dma semaphore(%arg17 : memref<!tpu.dma_semaphore, #tpu.memory_space<semaphore_mem>>) src(%dma_wait3A_377 : memref<128xf32, #tpu.memory_space<vmem>>) dst(%dma_wait3A_382 : memref<100352xf32, #tpu.memory_space<vmem_shared>>)
        %dma_wait3A_383 = arith.constant 1 : i32
        %dma_wait3A_384 = arith.constant 1 : i32
        %dma_wait3A_385 = arith.constant 0 : i32
        %dma_wait3A_386 = tpu.memref_slice %arg14[%rem3A_372, %dma_wait3A_383, %dma_wait3A_385] : memref<3x8x128xf32, #tpu.memory_space<vmem>> -> memref<1x1x128xf32, #tpu.memory_space<vmem>>
        %dma_wait3A_387 = tpu.memref_squeeze %dma_wait3A_386 : memref<1x1x128xf32, #tpu.memory_space<vmem>> -> memref<128xf32, #tpu.memory_space<vmem>>
        %dma_wait3A_388 = arith.constant 0 : i32
        %dma_wait3A_389 = tpu.memref_slice %arg13[%rem3A_372, %dma_wait3A_384, %dma_wait3A_388] : memref<3x8x128xi32, #tpu.memory_space<vmem>> -> memref<1x1x128xi32, #tpu.memory_space<vmem>>
        %dma_wait3A_390 = tpu.memref_squeeze %dma_wait3A_389 : memref<1x1x128xi32, #tpu.memory_space<vmem>> -> memref<128xi32, #tpu.memory_space<vmem>>
        %dma_wait3A_391 = arith.constant 0 : i32
        %dma_wait3A_392 = tpu.memref_slice %arg15[%dma_wait3A_391] : memref<100352xf32, #tpu.memory_space<vmem_shared>> -> memref<100352xf32, #tpu.memory_space<vmem_shared>>
        tpu.wait_indirect_dma semaphore(%arg17 : memref<!tpu.dma_semaphore, #tpu.memory_space<semaphore_mem>>) src(%dma_wait3A_387 : memref<128xf32, #tpu.memory_space<vmem>>) dst(%dma_wait3A_392 : memref<100352xf32, #tpu.memory_space<vmem_shared>>)
        %dma_wait3A_393 = arith.constant 2 : i32
        %dma_wait3A_394 = arith.constant 2 : i32
        %dma_wait3A_395 = arith.constant 0 : i32
        %dma_wait3A_396 = tpu.memref_slice %arg14[%rem3A_372, %dma_wait3A_393, %dma_wait3A_395] : memref<3x8x128xf32, #tpu.memory_space<vmem>> -> memref<1x1x128xf32, #tpu.memory_space<vmem>>
        %dma_wait3A_397 = tpu.memref_squeeze %dma_wait3A_396 : memref<1x1x128xf32, #tpu.memory_space<vmem>> -> memref<128xf32, #tpu.memory_space<vmem>>
        %dma_wait3A_398 = arith.constant 0 : i32
        %dma_wait3A_399 = tpu.memref_slice %arg13[%rem3A_372, %dma_wait3A_394, %dma_wait3A_398] : memref<3x8x128xi32, #tpu.memory_space<vmem>> -> memref<1x1x128xi32, #tpu.memory_space<vmem>>
        %dma_wait3A_400 = tpu.memref_squeeze %dma_wait3A_399 : memref<1x1x128xi32, #tpu.memory_space<vmem>> -> memref<128xi32, #tpu.memory_space<vmem>>
        %dma_wait3A_401 = arith.constant 0 : i32
        %dma_wait3A_402 = tpu.memref_slice %arg15[%dma_wait3A_401] : memref<100352xf32, #tpu.memory_space<vmem_shared>> -> memref<100352xf32, #tpu.memory_space<vmem_shared>>
        tpu.wait_indirect_dma semaphore(%arg17 : memref<!tpu.dma_semaphore, #tpu.memory_space<semaphore_mem>>) src(%dma_wait3A_397 : memref<128xf32, #tpu.memory_space<vmem>>) dst(%dma_wait3A_402 : memref<100352xf32, #tpu.memory_space<vmem_shared>>)
        %dma_wait3A_403 = arith.constant 3 : i32
        %dma_wait3A_404 = arith.constant 3 : i32
        %dma_wait3A_405 = arith.constant 0 : i32
        %dma_wait3A_406 = tpu.memref_slice %arg14[%rem3A_372, %dma_wait3A_403, %dma_wait3A_405] : memref<3x8x128xf32, #tpu.memory_space<vmem>> -> memref<1x1x128xf32, #tpu.memory_space<vmem>>
        %dma_wait3A_407 = tpu.memref_squeeze %dma_wait3A_406 : memref<1x1x128xf32, #tpu.memory_space<vmem>> -> memref<128xf32, #tpu.memory_space<vmem>>
        %dma_wait3A_408 = arith.constant 0 : i32
        %dma_wait3A_409 = tpu.memref_slice %arg13[%rem3A_372, %dma_wait3A_404, %dma_wait3A_408] : memref<3x8x128xi32, #tpu.memory_space<vmem>> -> memref<1x1x128xi32, #tpu.memory_space<vmem>>
        %dma_wait3A_410 = tpu.memref_squeeze %dma_wait3A_409 : memref<1x1x128xi32, #tpu.memory_space<vmem>> -> memref<128xi32, #tpu.memory_space<vmem>>
        %dma_wait3A_411 = arith.constant 0 : i32
        %dma_wait3A_412 = tpu.memref_slice %arg15[%dma_wait3A_411] : memref<100352xf32, #tpu.memory_space<vmem_shared>> -> memref<100352xf32, #tpu.memory_space<vmem_shared>>
        tpu.wait_indirect_dma semaphore(%arg17 : memref<!tpu.dma_semaphore, #tpu.memory_space<semaphore_mem>>) src(%dma_wait3A_407 : memref<128xf32, #tpu.memory_space<vmem>>) dst(%dma_wait3A_412 : memref<100352xf32, #tpu.memory_space<vmem_shared>>)
        %dma_wait3A_413 = arith.constant 4 : i32
        %dma_wait3A_414 = arith.constant 4 : i32
        %dma_wait3A_415 = arith.constant 0 : i32
        %dma_wait3A_416 = tpu.memref_slice %arg14[%rem3A_372, %dma_wait3A_413, %dma_wait3A_415] : memref<3x8x128xf32, #tpu.memory_space<vmem>> -> memref<1x1x128xf32, #tpu.memory_space<vmem>>
        %dma_wait3A_417 = tpu.memref_squeeze %dma_wait3A_416 : memref<1x1x128xf32, #tpu.memory_space<vmem>> -> memref<128xf32, #tpu.memory_space<vmem>>
        %dma_wait3A_418 = arith.constant 0 : i32
        %dma_wait3A_419 = tpu.memref_slice %arg13[%rem3A_372, %dma_wait3A_414, %dma_wait3A_418] : memref<3x8x128xi32, #tpu.memory_space<vmem>> -> memref<1x1x128xi32, #tpu.memory_space<vmem>>
        %dma_wait3A_420 = tpu.memref_squeeze %dma_wait3A_419 : memref<1x1x128xi32, #tpu.memory_space<vmem>> -> memref<128xi32, #tpu.memory_space<vmem>>
        %dma_wait3A_421 = arith.constant 0 : i32
        %dma_wait3A_422 = tpu.memref_slice %arg15[%dma_wait3A_421] : memref<100352xf32, #tpu.memory_space<vmem_shared>> -> memref<100352xf32, #tpu.memory_space<vmem_shared>>
        tpu.wait_indirect_dma semaphore(%arg17 : memref<!tpu.dma_semaphore, #tpu.memory_space<semaphore_mem>>) src(%dma_wait3A_417 : memref<128xf32, #tpu.memory_space<vmem>>) dst(%dma_wait3A_422 : memref<100352xf32, #tpu.memory_space<vmem_shared>>)
        %dma_wait3A_423 = arith.constant 5 : i32
        %dma_wait3A_424 = arith.constant 5 : i32
        %dma_wait3A_425 = arith.constant 0 : i32
        %dma_wait3A_426 = tpu.memref_slice %arg14[%rem3A_372, %dma_wait3A_423, %dma_wait3A_425] : memref<3x8x128xf32, #tpu.memory_space<vmem>> -> memref<1x1x128xf32, #tpu.memory_space<vmem>>
        %dma_wait3A_427 = tpu.memref_squeeze %dma_wait3A_426 : memref<1x1x128xf32, #tpu.memory_space<vmem>> -> memref<128xf32, #tpu.memory_space<vmem>>
        %dma_wait3A_428 = arith.constant 0 : i32
        %dma_wait3A_429 = tpu.memref_slice %arg13[%rem3A_372, %dma_wait3A_424, %dma_wait3A_428] : memref<3x8x128xi32, #tpu.memory_space<vmem>> -> memref<1x1x128xi32, #tpu.memory_space<vmem>>
        %dma_wait3A_430 = tpu.memref_squeeze %dma_wait3A_429 : memref<1x1x128xi32, #tpu.memory_space<vmem>> -> memref<128xi32, #tpu.memory_space<vmem>>
        %dma_wait3A_431 = arith.constant 0 : i32
        %dma_wait3A_432 = tpu.memref_slice %arg15[%dma_wait3A_431] : memref<100352xf32, #tpu.memory_space<vmem_shared>> -> memref<100352xf32, #tpu.memory_space<vmem_shared>>
        tpu.wait_indirect_dma semaphore(%arg17 : memref<!tpu.dma_semaphore, #tpu.memory_space<semaphore_mem>>) src(%dma_wait3A_427 : memref<128xf32, #tpu.memory_space<vmem>>) dst(%dma_wait3A_432 : memref<100352xf32, #tpu.memory_space<vmem_shared>>)
        %dma_wait3A_433 = arith.constant 6 : i32
        %dma_wait3A_434 = arith.constant 6 : i32
        %dma_wait3A_435 = arith.constant 0 : i32
        %dma_wait3A_436 = tpu.memref_slice %arg14[%rem3A_372, %dma_wait3A_433, %dma_wait3A_435] : memref<3x8x128xf32, #tpu.memory_space<vmem>> -> memref<1x1x128xf32, #tpu.memory_space<vmem>>
        %dma_wait3A_437 = tpu.memref_squeeze %dma_wait3A_436 : memref<1x1x128xf32, #tpu.memory_space<vmem>> -> memref<128xf32, #tpu.memory_space<vmem>>
        %dma_wait3A_438 = arith.constant 0 : i32
        %dma_wait3A_439 = tpu.memref_slice %arg13[%rem3A_372, %dma_wait3A_434, %dma_wait3A_438] : memref<3x8x128xi32, #tpu.memory_space<vmem>> -> memref<1x1x128xi32, #tpu.memory_space<vmem>>
        %dma_wait3A_440 = tpu.memref_squeeze %dma_wait3A_439 : memref<1x1x128xi32, #tpu.memory_space<vmem>> -> memref<128xi32, #tpu.memory_space<vmem>>
        %dma_wait3A_441 = arith.constant 0 : i32
        %dma_wait3A_442 = tpu.memref_slice %arg15[%dma_wait3A_441] : memref<100352xf32, #tpu.memory_space<vmem_shared>> -> memref<100352xf32, #tpu.memory_space<vmem_shared>>
        tpu.wait_indirect_dma semaphore(%arg17 : memref<!tpu.dma_semaphore, #tpu.memory_space<semaphore_mem>>) src(%dma_wait3A_437 : memref<128xf32, #tpu.memory_space<vmem>>) dst(%dma_wait3A_442 : memref<100352xf32, #tpu.memory_space<vmem_shared>>)
        %dma_wait3A_443 = arith.constant 7 : i32
        %dma_wait3A_444 = arith.constant 7 : i32
        %dma_wait3A_445 = arith.constant 0 : i32
        %dma_wait3A_446 = tpu.memref_slice %arg14[%rem3A_372, %dma_wait3A_443, %dma_wait3A_445] : memref<3x8x128xf32, #tpu.memory_space<vmem>> -> memref<1x1x128xf32, #tpu.memory_space<vmem>>
        %dma_wait3A_447 = tpu.memref_squeeze %dma_wait3A_446 : memref<1x1x128xf32, #tpu.memory_space<vmem>> -> memref<128xf32, #tpu.memory_space<vmem>>
        %dma_wait3A_448 = arith.constant 0 : i32
        %dma_wait3A_449 = tpu.memref_slice %arg13[%rem3A_372, %dma_wait3A_444, %dma_wait3A_448] : memref<3x8x128xi32, #tpu.memory_space<vmem>> -> memref<1x1x128xi32, #tpu.memory_space<vmem>>
        %dma_wait3A_450 = tpu.memref_squeeze %dma_wait3A_449 : memref<1x1x128xi32, #tpu.memory_space<vmem>> -> memref<128xi32, #tpu.memory_space<vmem>>
        %dma_wait3A_451 = arith.constant 0 : i32
        %dma_wait3A_452 = tpu.memref_slice %arg15[%dma_wait3A_451] : memref<100352xf32, #tpu.memory_space<vmem_shared>> -> memref<100352xf32, #tpu.memory_space<vmem_shared>>
        tpu.wait_indirect_dma semaphore(%arg17 : memref<!tpu.dma_semaphore, #tpu.memory_space<semaphore_mem>>) src(%dma_wait3A_447 : memref<128xf32, #tpu.memory_space<vmem>>) dst(%dma_wait3A_452 : memref<100352xf32, #tpu.memory_space<vmem_shared>>)
      } else {
      }
      %add3A_247 = arith.constant 1 : i32
      %add3A_248 = arith.addi %while3A_240, %add3A_247 : i32
      %lt3A = arith.cmpi slt, %add3A_248, %add3A_22 : i32
      %convert_element_type3A_249 = arith.extui %lt3A : i1 to i32
      %cond3A_250 = arith.constant 0 : i32
      %cond3A_251 = arith.cmpi ne, %convert_element_type3A_249, %cond3A_250 : i32
      scf.if %cond3A_251 {
        %add3A_369 = arith.constant 1 : i32
        %add3A_370 = arith.addi %while3A_240, %add3A_369 : i32
        %sub3A_371 = arith.constant 1 : i32
        %sub3A_372 = arith.subi %sub3A_371, %rem3A_244 : i32
        %mul3A_373 = arith.constant 32 : i32
        %mul3A_374 = arith.muli %add3A_370, %mul3A_373 : i32
        %add3A_375 = arith.addi %add3A, %mul3A_374 : i32
        %mul3A_376 = arith.constant 1024 : i32
        %mul3A_377 = arith.muli %add3A_375, %mul3A_376 : i32
        %dma_start3A_378 = arith.constant 0 : i32
        %dma_start3A_379 = arith.constant 0 : i32
        %dma_start3A_380 = tpu.memref_slice %arg10[%sub3A_372, %dma_start3A_379] : memref<2x1024xi32, #tpu.memory_space<vmem>> -> memref<1x1024xi32, #tpu.memory_space<vmem>>
        %dma_start3A_381 = tpu.memref_squeeze %dma_start3A_380 : memref<1x1024xi32, #tpu.memory_space<vmem>> -> memref<1024xi32, #tpu.memory_space<vmem>>
        %dma_start3A_382 = tpu.memref_slice %arg2[%dma_start3A_378, %mul3A_377] : memref<2x6400000xi32, #tpu.memory_space<hbm>> -> memref<1x1024xi32, #tpu.memory_space<hbm>>
        %dma_start3A_383 = tpu.memref_squeeze %dma_start3A_382 : memref<1x1024xi32, #tpu.memory_space<hbm>> -> memref<1024xi32, #tpu.memory_space<hbm>>
        %dma_start3A_384 = arith.constant 0 : i32
        %dma_start3A_385 = tpu.memref_slice %arg10[%sub3A_372, %dma_start3A_384] : memref<2x1024xi32, #tpu.memory_space<vmem>> -> memref<1x1024xi32, #tpu.memory_space<vmem>>
        %dma_start3A_386 = tpu.memref_squeeze %dma_start3A_385 : memref<1x1024xi32, #tpu.memory_space<vmem>> -> memref<1024xi32, #tpu.memory_space<vmem>>
        %dma_start3A_387 = tpu.memref_slice %arg2[%dma_start3A_378, %mul3A_377] : memref<2x6400000xi32, #tpu.memory_space<hbm>> -> memref<1x1024xi32, #tpu.memory_space<hbm>>
        %dma_start3A_388 = tpu.memref_squeeze %dma_start3A_387 : memref<1x1024xi32, #tpu.memory_space<hbm>> -> memref<1024xi32, #tpu.memory_space<hbm>>
        tpu.enqueue_dma source(%dma_start3A_388 : memref<1024xi32, #tpu.memory_space<hbm>>) target(%dma_start3A_386 : memref<1024xi32, #tpu.memory_space<vmem>>) target_semaphore(%arg16 : memref<!tpu.dma_semaphore, #tpu.memory_space<semaphore_mem>>)
        %dma_start3A_389 = arith.constant 1 : i32
        %dma_start3A_390 = arith.constant 0 : i32
        %dma_start3A_391 = tpu.memref_slice %arg11[%sub3A_372, %dma_start3A_390] : memref<2x1024xi32, #tpu.memory_space<vmem>> -> memref<1x1024xi32, #tpu.memory_space<vmem>>
        %dma_start3A_392 = tpu.memref_squeeze %dma_start3A_391 : memref<1x1024xi32, #tpu.memory_space<vmem>> -> memref<1024xi32, #tpu.memory_space<vmem>>
        %dma_start3A_393 = tpu.memref_slice %arg2[%dma_start3A_389, %mul3A_377] : memref<2x6400000xi32, #tpu.memory_space<hbm>> -> memref<1x1024xi32, #tpu.memory_space<hbm>>
        %dma_start3A_394 = tpu.memref_squeeze %dma_start3A_393 : memref<1x1024xi32, #tpu.memory_space<hbm>> -> memref<1024xi32, #tpu.memory_space<hbm>>
        %dma_start3A_395 = arith.constant 0 : i32
        %dma_start3A_396 = tpu.memref_slice %arg11[%sub3A_372, %dma_start3A_395] : memref<2x1024xi32, #tpu.memory_space<vmem>> -> memref<1x1024xi32, #tpu.memory_space<vmem>>
        %dma_start3A_397 = tpu.memref_squeeze %dma_start3A_396 : memref<1x1024xi32, #tpu.memory_space<vmem>> -> memref<1024xi32, #tpu.memory_space<vmem>>
        %dma_start3A_398 = tpu.memref_slice %arg2[%dma_start3A_389, %mul3A_377] : memref<2x6400000xi32, #tpu.memory_space<hbm>> -> memref<1x1024xi32, #tpu.memory_space<hbm>>
        %dma_start3A_399 = tpu.memref_squeeze %dma_start3A_398 : memref<1x1024xi32, #tpu.memory_space<hbm>> -> memref<1024xi32, #tpu.memory_space<hbm>>
        tpu.enqueue_dma source(%dma_start3A_399 : memref<1024xi32, #tpu.memory_space<hbm>>) target(%dma_start3A_397 : memref<1024xi32, #tpu.memory_space<vmem>>) target_semaphore(%arg16 : memref<!tpu.dma_semaphore, #tpu.memory_space<semaphore_mem>>)
        %dma_start3A_400 = arith.constant 0 : i32
        %dma_start3A_401 = tpu.memref_slice %arg12[%sub3A_372, %dma_start3A_400] : memref<2x1024xf32, #tpu.memory_space<vmem>> -> memref<1x1024xf32, #tpu.memory_space<vmem>>
        %dma_start3A_402 = tpu.memref_squeeze %dma_start3A_401 : memref<1x1024xf32, #tpu.memory_space<vmem>> -> memref<1024xf32, #tpu.memory_space<vmem>>
        %dma_start3A_403 = tpu.memref_slice %arg3[%mul3A_377] : memref<6400000xf32, #tpu.memory_space<hbm>> -> memref<1024xf32, #tpu.memory_space<hbm>>
        %dma_start3A_404 = arith.constant 0 : i32
        %dma_start3A_405 = tpu.memref_slice %arg12[%sub3A_372, %dma_start3A_404] : memref<2x1024xf32, #tpu.memory_space<vmem>> -> memref<1x1024xf32, #tpu.memory_space<vmem>>
        %dma_start3A_406 = tpu.memref_squeeze %dma_start3A_405 : memref<1x1024xf32, #tpu.memory_space<vmem>> -> memref<1024xf32, #tpu.memory_space<vmem>>
        %dma_start3A_407 = tpu.memref_slice %arg3[%mul3A_377] : memref<6400000xf32, #tpu.memory_space<hbm>> -> memref<1024xf32, #tpu.memory_space<hbm>>
        tpu.enqueue_dma source(%dma_start3A_407 : memref<1024xf32, #tpu.memory_space<hbm>>) target(%dma_start3A_406 : memref<1024xf32, #tpu.memory_space<vmem>>) target_semaphore(%arg16 : memref<!tpu.dma_semaphore, #tpu.memory_space<semaphore_mem>>)
      } else {
      }
      %mul3A_252 = arith.constant 32 : i32
      %mul3A_253 = arith.muli %while3A_240, %mul3A_252 : i32
      %add3A_254 = arith.addi %add3A, %mul3A_253 : i32
      %mul3A_255 = arith.constant 1024 : i32
      %mul3A_256 = arith.muli %add3A_254, %mul3A_255 : i32
      %dma_wait3A_257 = arith.constant 0 : i32
      %dma_wait3A_258 = arith.constant 0 : i32
      %dma_wait3A_259 = tpu.memref_slice %arg10[%rem3A_244, %dma_wait3A_258] : memref<2x1024xi32, #tpu.memory_space<vmem>> -> memref<1x1024xi32, #tpu.memory_space<vmem>>
      %dma_wait3A_260 = tpu.memref_squeeze %dma_wait3A_259 : memref<1x1024xi32, #tpu.memory_space<vmem>> -> memref<1024xi32, #tpu.memory_space<vmem>>
      %dma_wait3A_261 = tpu.memref_slice %arg2[%dma_wait3A_257, %mul3A_256] : memref<2x6400000xi32, #tpu.memory_space<hbm>> -> memref<1x1024xi32, #tpu.memory_space<hbm>>
      %dma_wait3A_262 = tpu.memref_squeeze %dma_wait3A_261 : memref<1x1024xi32, #tpu.memory_space<hbm>> -> memref<1024xi32, #tpu.memory_space<hbm>>
      %dma_wait3A_263 = arith.constant 0 : i32
      %dma_wait3A_264 = tpu.memref_slice %arg10[%rem3A_244, %dma_wait3A_263] : memref<2x1024xi32, #tpu.memory_space<vmem>> -> memref<1x1024xi32, #tpu.memory_space<vmem>>
      %dma_wait3A_265 = tpu.memref_squeeze %dma_wait3A_264 : memref<1x1024xi32, #tpu.memory_space<vmem>> -> memref<1024xi32, #tpu.memory_space<vmem>>
      %dma_wait3A_266 = tpu.memref_slice %arg2[%dma_wait3A_257, %mul3A_256] : memref<2x6400000xi32, #tpu.memory_space<hbm>> -> memref<1x1024xi32, #tpu.memory_space<hbm>>
      %dma_wait3A_267 = tpu.memref_squeeze %dma_wait3A_266 : memref<1x1024xi32, #tpu.memory_space<hbm>> -> memref<1024xi32, #tpu.memory_space<hbm>>
      tpu.wait_dma2 semaphore(%arg16 : memref<!tpu.dma_semaphore, #tpu.memory_space<semaphore_mem>>) src(%dma_wait3A_267 : memref<1024xi32, #tpu.memory_space<hbm>>) dst(%dma_wait3A_265 : memref<1024xi32, #tpu.memory_space<vmem>>)
      %dma_wait3A_268 = arith.constant 1 : i32
      %dma_wait3A_269 = arith.constant 0 : i32
      %dma_wait3A_270 = tpu.memref_slice %arg11[%rem3A_244, %dma_wait3A_269] : memref<2x1024xi32, #tpu.memory_space<vmem>> -> memref<1x1024xi32, #tpu.memory_space<vmem>>
      %dma_wait3A_271 = tpu.memref_squeeze %dma_wait3A_270 : memref<1x1024xi32, #tpu.memory_space<vmem>> -> memref<1024xi32, #tpu.memory_space<vmem>>
      %dma_wait3A_272 = tpu.memref_slice %arg2[%dma_wait3A_268, %mul3A_256] : memref<2x6400000xi32, #tpu.memory_space<hbm>> -> memref<1x1024xi32, #tpu.memory_space<hbm>>
      %dma_wait3A_273 = tpu.memref_squeeze %dma_wait3A_272 : memref<1x1024xi32, #tpu.memory_space<hbm>> -> memref<1024xi32, #tpu.memory_space<hbm>>
      %dma_wait3A_274 = arith.constant 0 : i32
      %dma_wait3A_275 = tpu.memref_slice %arg11[%rem3A_244, %dma_wait3A_274] : memref<2x1024xi32, #tpu.memory_space<vmem>> -> memref<1x1024xi32, #tpu.memory_space<vmem>>
      %dma_wait3A_276 = tpu.memref_squeeze %dma_wait3A_275 : memref<1x1024xi32, #tpu.memory_space<vmem>> -> memref<1024xi32, #tpu.memory_space<vmem>>
      %dma_wait3A_277 = tpu.memref_slice %arg2[%dma_wait3A_268, %mul3A_256] : memref<2x6400000xi32, #tpu.memory_space<hbm>> -> memref<1x1024xi32, #tpu.memory_space<hbm>>
      %dma_wait3A_278 = tpu.memref_squeeze %dma_wait3A_277 : memref<1x1024xi32, #tpu.memory_space<hbm>> -> memref<1024xi32, #tpu.memory_space<hbm>>
      tpu.wait_dma2 semaphore(%arg16 : memref<!tpu.dma_semaphore, #tpu.memory_space<semaphore_mem>>) src(%dma_wait3A_278 : memref<1024xi32, #tpu.memory_space<hbm>>) dst(%dma_wait3A_276 : memref<1024xi32, #tpu.memory_space<vmem>>)
      %dma_wait3A_279 = arith.constant 0 : i32
      %dma_wait3A_280 = tpu.memref_slice %arg12[%rem3A_244, %dma_wait3A_279] : memref<2x1024xf32, #tpu.memory_space<vmem>> -> memref<1x1024xf32, #tpu.memory_space<vmem>>
      %dma_wait3A_281 = tpu.memref_squeeze %dma_wait3A_280 : memref<1x1024xf32, #tpu.memory_space<vmem>> -> memref<1024xf32, #tpu.memory_space<vmem>>
      %dma_wait3A_282 = tpu.memref_slice %arg3[%mul3A_256] : memref<6400000xf32, #tpu.memory_space<hbm>> -> memref<1024xf32, #tpu.memory_space<hbm>>
      %dma_wait3A_283 = arith.constant 0 : i32
      %dma_wait3A_284 = tpu.memref_slice %arg12[%rem3A_244, %dma_wait3A_283] : memref<2x1024xf32, #tpu.memory_space<vmem>> -> memref<1x1024xf32, #tpu.memory_space<vmem>>
      %dma_wait3A_285 = tpu.memref_squeeze %dma_wait3A_284 : memref<1x1024xf32, #tpu.memory_space<vmem>> -> memref<1024xf32, #tpu.memory_space<vmem>>
      %dma_wait3A_286 = tpu.memref_slice %arg3[%mul3A_256] : memref<6400000xf32, #tpu.memory_space<hbm>> -> memref<1024xf32, #tpu.memory_space<hbm>>
      tpu.wait_dma2 semaphore(%arg16 : memref<!tpu.dma_semaphore, #tpu.memory_space<semaphore_mem>>) src(%dma_wait3A_286 : memref<1024xf32, #tpu.memory_space<hbm>>) dst(%dma_wait3A_285 : memref<1024xf32, #tpu.memory_space<vmem>>)
      %parallel_loop3A = arith.constant 0 : i32
      %parallel_loop3A_287 = arith.constant 1024 : i32
      %parallel_loop3A_288 = arith.constant 16 : i32
      scf.for %parallel_loop3A_369 = %parallel_loop3A to %parallel_loop3A_287 step %parallel_loop3A_288  : i32 {
        %parallel_loop3A_370 = arith.index_cast %rem3A_244 : i32 to index
        %parallel_loop3A_371 = arith.index_cast %parallel_loop3A_369 : i32 to index
        %parallel_loop3A_372 = tpu.vector_load %arg10[%parallel_loop3A_370, %parallel_loop3A_371] {strides = array<i32>} : memref<2x1024xi32, #tpu.memory_space<vmem>>, vector<16xi32>,
        %parallel_loop3A_373 = arith.index_cast %rem3A_244 : i32 to index
        %parallel_loop3A_374 = arith.index_cast %parallel_loop3A_369 : i32 to index
        %parallel_loop3A_375 = tpu.vector_load %arg11[%parallel_loop3A_373, %parallel_loop3A_374] {strides = array<i32>} : memref<2x1024xi32, #tpu.memory_space<vmem>>, vector<16xi32>,
        %parallel_loop3A_376 = arith.index_cast %rem3A_244 : i32 to index
        %parallel_loop3A_377 = arith.index_cast %parallel_loop3A_369 : i32 to index
        %parallel_loop3A_378 = tpu.vector_load %arg12[%parallel_loop3A_376, %parallel_loop3A_377] {strides = array<i32>} : memref<2x1024xf32, #tpu.memory_space<vmem>>, vector<16xf32>,
        %parallel_loop3A_379 = tpu.vector_load_idx %arg8[%parallel_loop3A_372] : memref<100000xi32, #tpu.memory_space<vmem>>[vector<16xi32>], vector<16xi32>,
        %parallel_loop3A_380 = tpu.vector_load_idx %arg8[%parallel_loop3A_375] : memref<100000xi32, #tpu.memory_space<vmem>>[vector<16xi32>], vector<16xi32>,
        %parallel_loop3A_381 = tpu.vector_load_idx %arg9[%parallel_loop3A_379, %parallel_loop3A_380] : memref<64x64xf32, #tpu.memory_space<vmem>>[vector<16xi32>, vector<16xi32>], vector<16xf32>,
        %parallel_loop3A_382 = arith.constant 7 : i32
        %parallel_loop3A_383 = arith.shrui %parallel_loop3A_369, %parallel_loop3A_382 : i32
        %parallel_loop3A_384 = arith.constant 127 : i32
        %parallel_loop3A_385 = arith.andi %parallel_loop3A_369, %parallel_loop3A_384 : i32
        %parallel_loop3A_386 = arith.index_cast %rem3A_242 : i32 to index
        %parallel_loop3A_387 = arith.index_cast %parallel_loop3A_383 : i32 to index
        %parallel_loop3A_388 = arith.index_cast %parallel_loop3A_385 : i32 to index
        %parallel_loop3A_389 = tpu.vector_load %arg13[%parallel_loop3A_386, %parallel_loop3A_387, %parallel_loop3A_388] {strides = array<i32>} : memref<3x8x128xi32, #tpu.memory_space<vmem>>, vector<16xi32>,
        tpu.vector_store %arg13[%parallel_loop3A_386, %parallel_loop3A_387, %parallel_loop3A_388], %parallel_loop3A_372 {strides = array<i32>} : memref<3x8x128xi32, #tpu.memory_space<vmem>>, vector<16xi32>,
        %parallel_loop3A_390 = arith.mulf %parallel_loop3A_378, %parallel_loop3A_381 : vector<16xf32>
        %parallel_loop3A_391 = arith.index_cast %rem3A_242 : i32 to index
        %parallel_loop3A_392 = arith.index_cast %parallel_loop3A_383 : i32 to index
        %parallel_loop3A_393 = arith.index_cast %parallel_loop3A_385 : i32 to index
        %parallel_loop3A_394 = tpu.vector_load %arg14[%parallel_loop3A_391, %parallel_loop3A_392, %parallel_loop3A_393] {strides = array<i32>} : memref<3x8x128xf32, #tpu.memory_space<vmem>>, vector<16xf32>,
        tpu.vector_store %arg14[%parallel_loop3A_391, %parallel_loop3A_392, %parallel_loop3A_393], %parallel_loop3A_390 {strides = array<i32>} : memref<3x8x128xf32, #tpu.memory_space<vmem>>, vector<16xf32>,
      } {sc.loop_unroll_factor = 8 : i64, sc.parallel_access}
      %dma_start3A_289 = arith.constant 0 : i32
      %dma_start3A_290 = arith.constant 0 : i32
      %dma_start3A_291 = arith.constant 0 : i32
      %dma_start3A_292 = tpu.memref_slice %arg14[%rem3A_242, %dma_start3A_289, %dma_start3A_291] : memref<3x8x128xf32, #tpu.memory_space<vmem>> -> memref<1x1x128xf32, #tpu.memory_space<vmem>>
      %dma_start3A_293 = tpu.memref_squeeze %dma_start3A_292 : memref<1x1x128xf32, #tpu.memory_space<vmem>> -> memref<128xf32, #tpu.memory_space<vmem>>
      %dma_start3A_294 = arith.constant 0 : i32
      %dma_start3A_295 = tpu.memref_slice %arg13[%rem3A_242, %dma_start3A_290, %dma_start3A_294] : memref<3x8x128xi32, #tpu.memory_space<vmem>> -> memref<1x1x128xi32, #tpu.memory_space<vmem>>
      %dma_start3A_296 = tpu.memref_squeeze %dma_start3A_295 : memref<1x1x128xi32, #tpu.memory_space<vmem>> -> memref<128xi32, #tpu.memory_space<vmem>>
      %dma_start3A_297 = arith.constant 0 : i32
      %dma_start3A_298 = tpu.memref_slice %arg15[%dma_start3A_297] : memref<100352xf32, #tpu.memory_space<vmem_shared>> -> memref<100352xf32, #tpu.memory_space<vmem_shared>>
      tpu.enqueue_indirect_dma source(%dma_start3A_293 : memref<128xf32, #tpu.memory_space<vmem>>) target(%dma_start3A_298 : memref<100352xf32, #tpu.memory_space<vmem_shared>>) offsets(%dma_start3A_296 : memref<128xi32, #tpu.memory_space<vmem>>) semaphore(%arg17 : memref<!tpu.dma_semaphore, #tpu.memory_space<semaphore_mem>>) {add = true}
      %dma_start3A_299 = arith.constant 1 : i32
      %dma_start3A_300 = arith.constant 1 : i32
      %dma_start3A_301 = arith.constant 0 : i32
      %dma_start3A_302 = tpu.memref_slice %arg14[%rem3A_242, %dma_start3A_299, %dma_start3A_301] : memref<3x8x128xf32, #tpu.memory_space<vmem>> -> memref<1x1x128xf32, #tpu.memory_space<vmem>>
      %dma_start3A_303 = tpu.memref_squeeze %dma_start3A_302 : memref<1x1x128xf32, #tpu.memory_space<vmem>> -> memref<128xf32, #tpu.memory_space<vmem>>
      %dma_start3A_304 = arith.constant 0 : i32
      %dma_start3A_305 = tpu.memref_slice %arg13[%rem3A_242, %dma_start3A_300, %dma_start3A_304] : memref<3x8x128xi32, #tpu.memory_space<vmem>> -> memref<1x1x128xi32, #tpu.memory_space<vmem>>
      %dma_start3A_306 = tpu.memref_squeeze %dma_start3A_305 : memref<1x1x128xi32, #tpu.memory_space<vmem>> -> memref<128xi32, #tpu.memory_space<vmem>>
      %dma_start3A_307 = arith.constant 0 : i32
      %dma_start3A_308 = tpu.memref_slice %arg15[%dma_start3A_307] : memref<100352xf32, #tpu.memory_space<vmem_shared>> -> memref<100352xf32, #tpu.memory_space<vmem_shared>>
      tpu.enqueue_indirect_dma source(%dma_start3A_303 : memref<128xf32, #tpu.memory_space<vmem>>) target(%dma_start3A_308 : memref<100352xf32, #tpu.memory_space<vmem_shared>>) offsets(%dma_start3A_306 : memref<128xi32, #tpu.memory_space<vmem>>) semaphore(%arg17 : memref<!tpu.dma_semaphore, #tpu.memory_space<semaphore_mem>>) {add = true}
      %dma_start3A_309 = arith.constant 2 : i32
      %dma_start3A_310 = arith.constant 2 : i32
      %dma_start3A_311 = arith.constant 0 : i32
      %dma_start3A_312 = tpu.memref_slice %arg14[%rem3A_242, %dma_start3A_309, %dma_start3A_311] : memref<3x8x128xf32, #tpu.memory_space<vmem>> -> memref<1x1x128xf32, #tpu.memory_space<vmem>>
      %dma_start3A_313 = tpu.memref_squeeze %dma_start3A_312 : memref<1x1x128xf32, #tpu.memory_space<vmem>> -> memref<128xf32, #tpu.memory_space<vmem>>
      %dma_start3A_314 = arith.constant 0 : i32
      %dma_start3A_315 = tpu.memref_slice %arg13[%rem3A_242, %dma_start3A_310, %dma_start3A_314] : memref<3x8x128xi32, #tpu.memory_space<vmem>> -> memref<1x1x128xi32, #tpu.memory_space<vmem>>
      %dma_start3A_316 = tpu.memref_squeeze %dma_start3A_315 : memref<1x1x128xi32, #tpu.memory_space<vmem>> -> memref<128xi32, #tpu.memory_space<vmem>>
      %dma_start3A_317 = arith.constant 0 : i32
      %dma_start3A_318 = tpu.memref_slice %arg15[%dma_start3A_317] : memref<100352xf32, #tpu.memory_space<vmem_shared>> -> memref<100352xf32, #tpu.memory_space<vmem_shared>>
      tpu.enqueue_indirect_dma source(%dma_start3A_313 : memref<128xf32, #tpu.memory_space<vmem>>) target(%dma_start3A_318 : memref<100352xf32, #tpu.memory_space<vmem_shared>>) offsets(%dma_start3A_316 : memref<128xi32, #tpu.memory_space<vmem>>) semaphore(%arg17 : memref<!tpu.dma_semaphore, #tpu.memory_space<semaphore_mem>>) {add = true}
      %dma_start3A_319 = arith.constant 3 : i32
      %dma_start3A_320 = arith.constant 3 : i32
      %dma_start3A_321 = arith.constant 0 : i32
      %dma_start3A_322 = tpu.memref_slice %arg14[%rem3A_242, %dma_start3A_319, %dma_start3A_321] : memref<3x8x128xf32, #tpu.memory_space<vmem>> -> memref<1x1x128xf32, #tpu.memory_space<vmem>>
      %dma_start3A_323 = tpu.memref_squeeze %dma_start3A_322 : memref<1x1x128xf32, #tpu.memory_space<vmem>> -> memref<128xf32, #tpu.memory_space<vmem>>
      %dma_start3A_324 = arith.constant 0 : i32
      %dma_start3A_325 = tpu.memref_slice %arg13[%rem3A_242, %dma_start3A_320, %dma_start3A_324] : memref<3x8x128xi32, #tpu.memory_space<vmem>> -> memref<1x1x128xi32, #tpu.memory_space<vmem>>
      %dma_start3A_326 = tpu.memref_squeeze %dma_start3A_325 : memref<1x1x128xi32, #tpu.memory_space<vmem>> -> memref<128xi32, #tpu.memory_space<vmem>>
      %dma_start3A_327 = arith.constant 0 : i32
      %dma_start3A_328 = tpu.memref_slice %arg15[%dma_start3A_327] : memref<100352xf32, #tpu.memory_space<vmem_shared>> -> memref<100352xf32, #tpu.memory_space<vmem_shared>>
      tpu.enqueue_indirect_dma source(%dma_start3A_323 : memref<128xf32, #tpu.memory_space<vmem>>) target(%dma_start3A_328 : memref<100352xf32, #tpu.memory_space<vmem_shared>>) offsets(%dma_start3A_326 : memref<128xi32, #tpu.memory_space<vmem>>) semaphore(%arg17 : memref<!tpu.dma_semaphore, #tpu.memory_space<semaphore_mem>>) {add = true}
      %dma_start3A_329 = arith.constant 4 : i32
      %dma_start3A_330 = arith.constant 4 : i32
      %dma_start3A_331 = arith.constant 0 : i32
      %dma_start3A_332 = tpu.memref_slice %arg14[%rem3A_242, %dma_start3A_329, %dma_start3A_331] : memref<3x8x128xf32, #tpu.memory_space<vmem>> -> memref<1x1x128xf32, #tpu.memory_space<vmem>>
      %dma_start3A_333 = tpu.memref_squeeze %dma_start3A_332 : memref<1x1x128xf32, #tpu.memory_space<vmem>> -> memref<128xf32, #tpu.memory_space<vmem>>
      %dma_start3A_334 = arith.constant 0 : i32
      %dma_start3A_335 = tpu.memref_slice %arg13[%rem3A_242, %dma_start3A_330, %dma_start3A_334] : memref<3x8x128xi32, #tpu.memory_space<vmem>> -> memref<1x1x128xi32, #tpu.memory_space<vmem>>
      %dma_start3A_336 = tpu.memref_squeeze %dma_start3A_335 : memref<1x1x128xi32, #tpu.memory_space<vmem>> -> memref<128xi32, #tpu.memory_space<vmem>>
      %dma_start3A_337 = arith.constant 0 : i32
      %dma_start3A_338 = tpu.memref_slice %arg15[%dma_start3A_337] : memref<100352xf32, #tpu.memory_space<vmem_shared>> -> memref<100352xf32, #tpu.memory_space<vmem_shared>>
      tpu.enqueue_indirect_dma source(%dma_start3A_333 : memref<128xf32, #tpu.memory_space<vmem>>) target(%dma_start3A_338 : memref<100352xf32, #tpu.memory_space<vmem_shared>>) offsets(%dma_start3A_336 : memref<128xi32, #tpu.memory_space<vmem>>) semaphore(%arg17 : memref<!tpu.dma_semaphore, #tpu.memory_space<semaphore_mem>>) {add = true}
      %dma_start3A_339 = arith.constant 5 : i32
      %dma_start3A_340 = arith.constant 5 : i32
      %dma_start3A_341 = arith.constant 0 : i32
      %dma_start3A_342 = tpu.memref_slice %arg14[%rem3A_242, %dma_start3A_339, %dma_start3A_341] : memref<3x8x128xf32, #tpu.memory_space<vmem>> -> memref<1x1x128xf32, #tpu.memory_space<vmem>>
      %dma_start3A_343 = tpu.memref_squeeze %dma_start3A_342 : memref<1x1x128xf32, #tpu.memory_space<vmem>> -> memref<128xf32, #tpu.memory_space<vmem>>
      %dma_start3A_344 = arith.constant 0 : i32
      %dma_start3A_345 = tpu.memref_slice %arg13[%rem3A_242, %dma_start3A_340, %dma_start3A_344] : memref<3x8x128xi32, #tpu.memory_space<vmem>> -> memref<1x1x128xi32, #tpu.memory_space<vmem>>
      %dma_start3A_346 = tpu.memref_squeeze %dma_start3A_345 : memref<1x1x128xi32, #tpu.memory_space<vmem>> -> memref<128xi32, #tpu.memory_space<vmem>>
      %dma_start3A_347 = arith.constant 0 : i32
      %dma_start3A_348 = tpu.memref_slice %arg15[%dma_start3A_347] : memref<100352xf32, #tpu.memory_space<vmem_shared>> -> memref<100352xf32, #tpu.memory_space<vmem_shared>>
      tpu.enqueue_indirect_dma source(%dma_start3A_343 : memref<128xf32, #tpu.memory_space<vmem>>) target(%dma_start3A_348 : memref<100352xf32, #tpu.memory_space<vmem_shared>>) offsets(%dma_start3A_346 : memref<128xi32, #tpu.memory_space<vmem>>) semaphore(%arg17 : memref<!tpu.dma_semaphore, #tpu.memory_space<semaphore_mem>>) {add = true}
      %dma_start3A_349 = arith.constant 6 : i32
      %dma_start3A_350 = arith.constant 6 : i32
      %dma_start3A_351 = arith.constant 0 : i32
      %dma_start3A_352 = tpu.memref_slice %arg14[%rem3A_242, %dma_start3A_349, %dma_start3A_351] : memref<3x8x128xf32, #tpu.memory_space<vmem>> -> memref<1x1x128xf32, #tpu.memory_space<vmem>>
      %dma_start3A_353 = tpu.memref_squeeze %dma_start3A_352 : memref<1x1x128xf32, #tpu.memory_space<vmem>> -> memref<128xf32, #tpu.memory_space<vmem>>
      %dma_start3A_354 = arith.constant 0 : i32
      %dma_start3A_355 = tpu.memref_slice %arg13[%rem3A_242, %dma_start3A_350, %dma_start3A_354] : memref<3x8x128xi32, #tpu.memory_space<vmem>> -> memref<1x1x128xi32, #tpu.memory_space<vmem>>
      %dma_start3A_356 = tpu.memref_squeeze %dma_start3A_355 : memref<1x1x128xi32, #tpu.memory_space<vmem>> -> memref<128xi32, #tpu.memory_space<vmem>>
      %dma_start3A_357 = arith.constant 0 : i32
      %dma_start3A_358 = tpu.memref_slice %arg15[%dma_start3A_357] : memref<100352xf32, #tpu.memory_space<vmem_shared>> -> memref<100352xf32, #tpu.memory_space<vmem_shared>>
      tpu.enqueue_indirect_dma source(%dma_start3A_353 : memref<128xf32, #tpu.memory_space<vmem>>) target(%dma_start3A_358 : memref<100352xf32, #tpu.memory_space<vmem_shared>>) offsets(%dma_start3A_356 : memref<128xi32, #tpu.memory_space<vmem>>) semaphore(%arg17 : memref<!tpu.dma_semaphore, #tpu.memory_space<semaphore_mem>>) {add = true}
      %dma_start3A_359 = arith.constant 7 : i32
      %dma_start3A_360 = arith.constant 7 : i32
      %dma_start3A_361 = arith.constant 0 : i32
      %dma_start3A_362 = tpu.memref_slice %arg14[%rem3A_242, %dma_start3A_359, %dma_start3A_361] : memref<3x8x128xf32, #tpu.memory_space<vmem>> -> memref<1x1x128xf32, #tpu.memory_space<vmem>>
      %dma_start3A_363 = tpu.memref_squeeze %dma_start3A_362 : memref<1x1x128xf32, #tpu.memory_space<vmem>> -> memref<128xf32, #tpu.memory_space<vmem>>
      %dma_start3A_364 = arith.constant 0 : i32
      %dma_start3A_365 = tpu.memref_slice %arg13[%rem3A_242, %dma_start3A_360, %dma_start3A_364] : memref<3x8x128xi32, #tpu.memory_space<vmem>> -> memref<1x1x128xi32, #tpu.memory_space<vmem>>
      %dma_start3A_366 = tpu.memref_squeeze %dma_start3A_365 : memref<1x1x128xi32, #tpu.memory_space<vmem>> -> memref<128xi32, #tpu.memory_space<vmem>>
      %dma_start3A_367 = arith.constant 0 : i32
      %dma_start3A_368 = tpu.memref_slice %arg15[%dma_start3A_367] : memref<100352xf32, #tpu.memory_space<vmem_shared>> -> memref<100352xf32, #tpu.memory_space<vmem_shared>>
      tpu.enqueue_indirect_dma source(%dma_start3A_363 : memref<128xf32, #tpu.memory_space<vmem>>) target(%dma_start3A_368 : memref<100352xf32, #tpu.memory_space<vmem_shared>>) offsets(%dma_start3A_366 : memref<128xi32, #tpu.memory_space<vmem>>) semaphore(%arg17 : memref<!tpu.dma_semaphore, #tpu.memory_space<semaphore_mem>>) {add = true}
    }
    %while3A_67 = arith.constant 1 : i32
    scf.for %while3A_240 = %while3A_65 to %while3A_61 step %while3A_67  : i32 {
      %rem3A_241 = arith.constant 3 : i32
      %rem3A_242 = arith.remsi %while3A_240, %rem3A_241 : i32
      %rem3A_243 = arith.constant 2 : i32
      %rem3A_244 = arith.remsi %while3A_240, %rem3A_243 : i32
      %ge3A = arith.constant 2 : i32
      %ge3A_245 = arith.cmpi sge, %while3A_240, %ge3A : i32
      %convert_element_type3A = arith.extui %ge3A_245 : i1 to i32
      %cond3A = arith.constant 0 : i32
      %cond3A_246 = arith.cmpi ne, %convert_element_type3A, %cond3A : i32
      scf.if %cond3A_246 {
        %add3A_369 = arith.constant 1 : i32
        %add3A_370 = arith.addi %while3A_240, %add3A_369 : i32
        %rem3A_371 = arith.constant 3 : i32
        %rem3A_372 = arith.remsi %add3A_370, %rem3A_371 : i32
        %dma_wait3A_373 = arith.constant 0 : i32
        %dma_wait3A_374 = arith.constant 0 : i32
        %dma_wait3A_375 = arith.constant 0 : i32
        %dma_wait3A_376 = tpu.memref_slice %arg14[%rem3A_372, %dma_wait3A_373, %dma_wait3A_375] : memref<3x8x128xf32, #tpu.memory_space<vmem>> -> memref<1x1x128xf32, #tpu.memory_space<vmem>>
        %dma_wait3A_377 = tpu.memref_squeeze %dma_wait3A_376 : memref<1x1x128xf32, #tpu.memory_space<vmem>> -> memref<128xf32, #tpu.memory_space<vmem>>
        %dma_wait3A_378 = arith.constant 0 : i32
        %dma_wait3A_379 = tpu.memref_slice %arg13[%rem3A_372, %dma_wait3A_374, %dma_wait3A_378] : memref<3x8x128xi32, #tpu.memory_space<vmem>> -> memref<1x1x128xi32, #tpu.memory_space<vmem>>
        %dma_wait3A_380 = tpu.memref_squeeze %dma_wait3A_379 : memref<1x1x128xi32, #tpu.memory_space<vmem>> -> memref<128xi32, #tpu.memory_space<vmem>>
        %dma_wait3A_381 = arith.constant 0 : i32
        %dma_wait3A_382 = tpu.memref_slice %arg15[%dma_wait3A_381] : memref<100352xf32, #tpu.memory_space<vmem_shared>> -> memref<100352xf32, #tpu.memory_space<vmem_shared>>
        tpu.wait_indirect_dma semaphore(%arg17 : memref<!tpu.dma_semaphore, #tpu.memory_space<semaphore_mem>>) src(%dma_wait3A_377 : memref<128xf32, #tpu.memory_space<vmem>>) dst(%dma_wait3A_382 : memref<100352xf32, #tpu.memory_space<vmem_shared>>)
        %dma_wait3A_383 = arith.constant 1 : i32
        %dma_wait3A_384 = arith.constant 1 : i32
        %dma_wait3A_385 = arith.constant 0 : i32
        %dma_wait3A_386 = tpu.memref_slice %arg14[%rem3A_372, %dma_wait3A_383, %dma_wait3A_385] : memref<3x8x128xf32, #tpu.memory_space<vmem>> -> memref<1x1x128xf32, #tpu.memory_space<vmem>>
        %dma_wait3A_387 = tpu.memref_squeeze %dma_wait3A_386 : memref<1x1x128xf32, #tpu.memory_space<vmem>> -> memref<128xf32, #tpu.memory_space<vmem>>
        %dma_wait3A_388 = arith.constant 0 : i32
        %dma_wait3A_389 = tpu.memref_slice %arg13[%rem3A_372, %dma_wait3A_384, %dma_wait3A_388] : memref<3x8x128xi32, #tpu.memory_space<vmem>> -> memref<1x1x128xi32, #tpu.memory_space<vmem>>
        %dma_wait3A_390 = tpu.memref_squeeze %dma_wait3A_389 : memref<1x1x128xi32, #tpu.memory_space<vmem>> -> memref<128xi32, #tpu.memory_space<vmem>>
        %dma_wait3A_391 = arith.constant 0 : i32
        %dma_wait3A_392 = tpu.memref_slice %arg15[%dma_wait3A_391] : memref<100352xf32, #tpu.memory_space<vmem_shared>> -> memref<100352xf32, #tpu.memory_space<vmem_shared>>
        tpu.wait_indirect_dma semaphore(%arg17 : memref<!tpu.dma_semaphore, #tpu.memory_space<semaphore_mem>>) src(%dma_wait3A_387 : memref<128xf32, #tpu.memory_space<vmem>>) dst(%dma_wait3A_392 : memref<100352xf32, #tpu.memory_space<vmem_shared>>)
        %dma_wait3A_393 = arith.constant 2 : i32
        %dma_wait3A_394 = arith.constant 2 : i32
        %dma_wait3A_395 = arith.constant 0 : i32
        %dma_wait3A_396 = tpu.memref_slice %arg14[%rem3A_372, %dma_wait3A_393, %dma_wait3A_395] : memref<3x8x128xf32, #tpu.memory_space<vmem>> -> memref<1x1x128xf32, #tpu.memory_space<vmem>>
        %dma_wait3A_397 = tpu.memref_squeeze %dma_wait3A_396 : memref<1x1x128xf32, #tpu.memory_space<vmem>> -> memref<128xf32, #tpu.memory_space<vmem>>
        %dma_wait3A_398 = arith.constant 0 : i32
        %dma_wait3A_399 = tpu.memref_slice %arg13[%rem3A_372, %dma_wait3A_394, %dma_wait3A_398] : memref<3x8x128xi32, #tpu.memory_space<vmem>> -> memref<1x1x128xi32, #tpu.memory_space<vmem>>
        %dma_wait3A_400 = tpu.memref_squeeze %dma_wait3A_399 : memref<1x1x128xi32, #tpu.memory_space<vmem>> -> memref<128xi32, #tpu.memory_space<vmem>>
        %dma_wait3A_401 = arith.constant 0 : i32
        %dma_wait3A_402 = tpu.memref_slice %arg15[%dma_wait3A_401] : memref<100352xf32, #tpu.memory_space<vmem_shared>> -> memref<100352xf32, #tpu.memory_space<vmem_shared>>
        tpu.wait_indirect_dma semaphore(%arg17 : memref<!tpu.dma_semaphore, #tpu.memory_space<semaphore_mem>>) src(%dma_wait3A_397 : memref<128xf32, #tpu.memory_space<vmem>>) dst(%dma_wait3A_402 : memref<100352xf32, #tpu.memory_space<vmem_shared>>)
        %dma_wait3A_403 = arith.constant 3 : i32
        %dma_wait3A_404 = arith.constant 3 : i32
        %dma_wait3A_405 = arith.constant 0 : i32
        %dma_wait3A_406 = tpu.memref_slice %arg14[%rem3A_372, %dma_wait3A_403, %dma_wait3A_405] : memref<3x8x128xf32, #tpu.memory_space<vmem>> -> memref<1x1x128xf32, #tpu.memory_space<vmem>>
        %dma_wait3A_407 = tpu.memref_squeeze %dma_wait3A_406 : memref<1x1x128xf32, #tpu.memory_space<vmem>> -> memref<128xf32, #tpu.memory_space<vmem>>
        %dma_wait3A_408 = arith.constant 0 : i32
        %dma_wait3A_409 = tpu.memref_slice %arg13[%rem3A_372, %dma_wait3A_404, %dma_wait3A_408] : memref<3x8x128xi32, #tpu.memory_space<vmem>> -> memref<1x1x128xi32, #tpu.memory_space<vmem>>
        %dma_wait3A_410 = tpu.memref_squeeze %dma_wait3A_409 : memref<1x1x128xi32, #tpu.memory_space<vmem>> -> memref<128xi32, #tpu.memory_space<vmem>>
        %dma_wait3A_411 = arith.constant 0 : i32
        %dma_wait3A_412 = tpu.memref_slice %arg15[%dma_wait3A_411] : memref<100352xf32, #tpu.memory_space<vmem_shared>> -> memref<100352xf32, #tpu.memory_space<vmem_shared>>
        tpu.wait_indirect_dma semaphore(%arg17 : memref<!tpu.dma_semaphore, #tpu.memory_space<semaphore_mem>>) src(%dma_wait3A_407 : memref<128xf32, #tpu.memory_space<vmem>>) dst(%dma_wait3A_412 : memref<100352xf32, #tpu.memory_space<vmem_shared>>)
        %dma_wait3A_413 = arith.constant 4 : i32
        %dma_wait3A_414 = arith.constant 4 : i32
        %dma_wait3A_415 = arith.constant 0 : i32
        %dma_wait3A_416 = tpu.memref_slice %arg14[%rem3A_372, %dma_wait3A_413, %dma_wait3A_415] : memref<3x8x128xf32, #tpu.memory_space<vmem>> -> memref<1x1x128xf32, #tpu.memory_space<vmem>>
        %dma_wait3A_417 = tpu.memref_squeeze %dma_wait3A_416 : memref<1x1x128xf32, #tpu.memory_space<vmem>> -> memref<128xf32, #tpu.memory_space<vmem>>
        %dma_wait3A_418 = arith.constant 0 : i32
        %dma_wait3A_419 = tpu.memref_slice %arg13[%rem3A_372, %dma_wait3A_414, %dma_wait3A_418] : memref<3x8x128xi32, #tpu.memory_space<vmem>> -> memref<1x1x128xi32, #tpu.memory_space<vmem>>
        %dma_wait3A_420 = tpu.memref_squeeze %dma_wait3A_419 : memref<1x1x128xi32, #tpu.memory_space<vmem>> -> memref<128xi32, #tpu.memory_space<vmem>>
        %dma_wait3A_421 = arith.constant 0 : i32
        %dma_wait3A_422 = tpu.memref_slice %arg15[%dma_wait3A_421] : memref<100352xf32, #tpu.memory_space<vmem_shared>> -> memref<100352xf32, #tpu.memory_space<vmem_shared>>
        tpu.wait_indirect_dma semaphore(%arg17 : memref<!tpu.dma_semaphore, #tpu.memory_space<semaphore_mem>>) src(%dma_wait3A_417 : memref<128xf32, #tpu.memory_space<vmem>>) dst(%dma_wait3A_422 : memref<100352xf32, #tpu.memory_space<vmem_shared>>)
        %dma_wait3A_423 = arith.constant 5 : i32
        %dma_wait3A_424 = arith.constant 5 : i32
        %dma_wait3A_425 = arith.constant 0 : i32
        %dma_wait3A_426 = tpu.memref_slice %arg14[%rem3A_372, %dma_wait3A_423, %dma_wait3A_425] : memref<3x8x128xf32, #tpu.memory_space<vmem>> -> memref<1x1x128xf32, #tpu.memory_space<vmem>>
        %dma_wait3A_427 = tpu.memref_squeeze %dma_wait3A_426 : memref<1x1x128xf32, #tpu.memory_space<vmem>> -> memref<128xf32, #tpu.memory_space<vmem>>
        %dma_wait3A_428 = arith.constant 0 : i32
        %dma_wait3A_429 = tpu.memref_slice %arg13[%rem3A_372, %dma_wait3A_424, %dma_wait3A_428] : memref<3x8x128xi32, #tpu.memory_space<vmem>> -> memref<1x1x128xi32, #tpu.memory_space<vmem>>
        %dma_wait3A_430 = tpu.memref_squeeze %dma_wait3A_429 : memref<1x1x128xi32, #tpu.memory_space<vmem>> -> memref<128xi32, #tpu.memory_space<vmem>>
        %dma_wait3A_431 = arith.constant 0 : i32
        %dma_wait3A_432 = tpu.memref_slice %arg15[%dma_wait3A_431] : memref<100352xf32, #tpu.memory_space<vmem_shared>> -> memref<100352xf32, #tpu.memory_space<vmem_shared>>
        tpu.wait_indirect_dma semaphore(%arg17 : memref<!tpu.dma_semaphore, #tpu.memory_space<semaphore_mem>>) src(%dma_wait3A_427 : memref<128xf32, #tpu.memory_space<vmem>>) dst(%dma_wait3A_432 : memref<100352xf32, #tpu.memory_space<vmem_shared>>)
        %dma_wait3A_433 = arith.constant 6 : i32
        %dma_wait3A_434 = arith.constant 6 : i32
        %dma_wait3A_435 = arith.constant 0 : i32
        %dma_wait3A_436 = tpu.memref_slice %arg14[%rem3A_372, %dma_wait3A_433, %dma_wait3A_435] : memref<3x8x128xf32, #tpu.memory_space<vmem>> -> memref<1x1x128xf32, #tpu.memory_space<vmem>>
        %dma_wait3A_437 = tpu.memref_squeeze %dma_wait3A_436 : memref<1x1x128xf32, #tpu.memory_space<vmem>> -> memref<128xf32, #tpu.memory_space<vmem>>
        %dma_wait3A_438 = arith.constant 0 : i32
        %dma_wait3A_439 = tpu.memref_slice %arg13[%rem3A_372, %dma_wait3A_434, %dma_wait3A_438] : memref<3x8x128xi32, #tpu.memory_space<vmem>> -> memref<1x1x128xi32, #tpu.memory_space<vmem>>
        %dma_wait3A_440 = tpu.memref_squeeze %dma_wait3A_439 : memref<1x1x128xi32, #tpu.memory_space<vmem>> -> memref<128xi32, #tpu.memory_space<vmem>>
        %dma_wait3A_441 = arith.constant 0 : i32
        %dma_wait3A_442 = tpu.memref_slice %arg15[%dma_wait3A_441] : memref<100352xf32, #tpu.memory_space<vmem_shared>> -> memref<100352xf32, #tpu.memory_space<vmem_shared>>
        tpu.wait_indirect_dma semaphore(%arg17 : memref<!tpu.dma_semaphore, #tpu.memory_space<semaphore_mem>>) src(%dma_wait3A_437 : memref<128xf32, #tpu.memory_space<vmem>>) dst(%dma_wait3A_442 : memref<100352xf32, #tpu.memory_space<vmem_shared>>)
        %dma_wait3A_443 = arith.constant 7 : i32
        %dma_wait3A_444 = arith.constant 7 : i32
        %dma_wait3A_445 = arith.constant 0 : i32
        %dma_wait3A_446 = tpu.memref_slice %arg14[%rem3A_372, %dma_wait3A_443, %dma_wait3A_445] : memref<3x8x128xf32, #tpu.memory_space<vmem>> -> memref<1x1x128xf32, #tpu.memory_space<vmem>>
        %dma_wait3A_447 = tpu.memref_squeeze %dma_wait3A_446 : memref<1x1x128xf32, #tpu.memory_space<vmem>> -> memref<128xf32, #tpu.memory_space<vmem>>
        %dma_wait3A_448 = arith.constant 0 : i32
        %dma_wait3A_449 = tpu.memref_slice %arg13[%rem3A_372, %dma_wait3A_444, %dma_wait3A_448] : memref<3x8x128xi32, #tpu.memory_space<vmem>> -> memref<1x1x128xi32, #tpu.memory_space<vmem>>
        %dma_wait3A_450 = tpu.memref_squeeze %dma_wait3A_449 : memref<1x1x128xi32, #tpu.memory_space<vmem>> -> memref<128xi32, #tpu.memory_space<vmem>>
        %dma_wait3A_451 = arith.constant 0 : i32
        %dma_wait3A_452 = tpu.memref_slice %arg15[%dma_wait3A_451] : memref<100352xf32, #tpu.memory_space<vmem_shared>> -> memref<100352xf32, #tpu.memory_space<vmem_shared>>
        tpu.wait_indirect_dma semaphore(%arg17 : memref<!tpu.dma_semaphore, #tpu.memory_space<semaphore_mem>>) src(%dma_wait3A_447 : memref<128xf32, #tpu.memory_space<vmem>>) dst(%dma_wait3A_452 : memref<100352xf32, #tpu.memory_space<vmem_shared>>)
      } else {
      }
      %add3A_247 = arith.constant 1 : i32
      %add3A_248 = arith.addi %while3A_240, %add3A_247 : i32
      %lt3A = arith.cmpi slt, %add3A_248, %add3A_22 : i32
      %convert_element_type3A_249 = arith.extui %lt3A : i1 to i32
      %cond3A_250 = arith.constant 0 : i32
      %cond3A_251 = arith.cmpi ne, %convert_element_type3A_249, %cond3A_250 : i32
      scf.if %cond3A_251 {
        %add3A_369 = arith.constant 1 : i32
        %add3A_370 = arith.addi %while3A_240, %add3A_369 : i32
        %sub3A_371 = arith.constant 1 : i32
        %sub3A_372 = arith.subi %sub3A_371, %rem3A_244 : i32
        %mul3A_373 = arith.constant 32 : i32
        %mul3A_374 = arith.muli %add3A_370, %mul3A_373 : i32
        %add3A_375 = arith.addi %add3A, %mul3A_374 : i32
        %mul3A_376 = arith.constant 1024 : i32
        %mul3A_377 = arith.muli %add3A_375, %mul3A_376 : i32
        %dma_start3A_378 = arith.constant 0 : i32
        %dma_start3A_379 = arith.constant 0 : i32
        %dma_start3A_380 = tpu.memref_slice %arg10[%sub3A_372, %dma_start3A_379] : memref<2x1024xi32, #tpu.memory_space<vmem>> -> memref<1x1024xi32, #tpu.memory_space<vmem>>
        %dma_start3A_381 = tpu.memref_squeeze %dma_start3A_380 : memref<1x1024xi32, #tpu.memory_space<vmem>> -> memref<1024xi32, #tpu.memory_space<vmem>>
        %dma_start3A_382 = tpu.memref_slice %arg2[%dma_start3A_378, %mul3A_377] : memref<2x6400000xi32, #tpu.memory_space<hbm>> -> memref<1x1024xi32, #tpu.memory_space<hbm>>
        %dma_start3A_383 = tpu.memref_squeeze %dma_start3A_382 : memref<1x1024xi32, #tpu.memory_space<hbm>> -> memref<1024xi32, #tpu.memory_space<hbm>>
        %dma_start3A_384 = arith.constant 0 : i32
        %dma_start3A_385 = tpu.memref_slice %arg10[%sub3A_372, %dma_start3A_384] : memref<2x1024xi32, #tpu.memory_space<vmem>> -> memref<1x1024xi32, #tpu.memory_space<vmem>>
        %dma_start3A_386 = tpu.memref_squeeze %dma_start3A_385 : memref<1x1024xi32, #tpu.memory_space<vmem>> -> memref<1024xi32, #tpu.memory_space<vmem>>
        %dma_start3A_387 = tpu.memref_slice %arg2[%dma_start3A_378, %mul3A_377] : memref<2x6400000xi32, #tpu.memory_space<hbm>> -> memref<1x1024xi32, #tpu.memory_space<hbm>>
        %dma_start3A_388 = tpu.memref_squeeze %dma_start3A_387 : memref<1x1024xi32, #tpu.memory_space<hbm>> -> memref<1024xi32, #tpu.memory_space<hbm>>
        tpu.enqueue_dma source(%dma_start3A_388 : memref<1024xi32, #tpu.memory_space<hbm>>) target(%dma_start3A_386 : memref<1024xi32, #tpu.memory_space<vmem>>) target_semaphore(%arg16 : memref<!tpu.dma_semaphore, #tpu.memory_space<semaphore_mem>>)
        %dma_start3A_389 = arith.constant 1 : i32
        %dma_start3A_390 = arith.constant 0 : i32
        %dma_start3A_391 = tpu.memref_slice %arg11[%sub3A_372, %dma_start3A_390] : memref<2x1024xi32, #tpu.memory_space<vmem>> -> memref<1x1024xi32, #tpu.memory_space<vmem>>
        %dma_start3A_392 = tpu.memref_squeeze %dma_start3A_391 : memref<1x1024xi32, #tpu.memory_space<vmem>> -> memref<1024xi32, #tpu.memory_space<vmem>>
        %dma_start3A_393 = tpu.memref_slice %arg2[%dma_start3A_389, %mul3A_377] : memref<2x6400000xi32, #tpu.memory_space<hbm>> -> memref<1x1024xi32, #tpu.memory_space<hbm>>
        %dma_start3A_394 = tpu.memref_squeeze %dma_start3A_393 : memref<1x1024xi32, #tpu.memory_space<hbm>> -> memref<1024xi32, #tpu.memory_space<hbm>>
        %dma_start3A_395 = arith.constant 0 : i32
        %dma_start3A_396 = tpu.memref_slice %arg11[%sub3A_372, %dma_start3A_395] : memref<2x1024xi32, #tpu.memory_space<vmem>> -> memref<1x1024xi32, #tpu.memory_space<vmem>>
        %dma_start3A_397 = tpu.memref_squeeze %dma_start3A_396 : memref<1x1024xi32, #tpu.memory_space<vmem>> -> memref<1024xi32, #tpu.memory_space<vmem>>
        %dma_start3A_398 = tpu.memref_slice %arg2[%dma_start3A_389, %mul3A_377] : memref<2x6400000xi32, #tpu.memory_space<hbm>> -> memref<1x1024xi32, #tpu.memory_space<hbm>>
        %dma_start3A_399 = tpu.memref_squeeze %dma_start3A_398 : memref<1x1024xi32, #tpu.memory_space<hbm>> -> memref<1024xi32, #tpu.memory_space<hbm>>
        tpu.enqueue_dma source(%dma_start3A_399 : memref<1024xi32, #tpu.memory_space<hbm>>) target(%dma_start3A_397 : memref<1024xi32, #tpu.memory_space<vmem>>) target_semaphore(%arg16 : memref<!tpu.dma_semaphore, #tpu.memory_space<semaphore_mem>>)
        %dma_start3A_400 = arith.constant 0 : i32
        %dma_start3A_401 = tpu.memref_slice %arg12[%sub3A_372, %dma_start3A_400] : memref<2x1024xf32, #tpu.memory_space<vmem>> -> memref<1x1024xf32, #tpu.memory_space<vmem>>
        %dma_start3A_402 = tpu.memref_squeeze %dma_start3A_401 : memref<1x1024xf32, #tpu.memory_space<vmem>> -> memref<1024xf32, #tpu.memory_space<vmem>>
        %dma_start3A_403 = tpu.memref_slice %arg3[%mul3A_377] : memref<6400000xf32, #tpu.memory_space<hbm>> -> memref<1024xf32, #tpu.memory_space<hbm>>
        %dma_start3A_404 = arith.constant 0 : i32
        %dma_start3A_405 = tpu.memref_slice %arg12[%sub3A_372, %dma_start3A_404] : memref<2x1024xf32, #tpu.memory_space<vmem>> -> memref<1x1024xf32, #tpu.memory_space<vmem>>
        %dma_start3A_406 = tpu.memref_squeeze %dma_start3A_405 : memref<1x1024xf32, #tpu.memory_space<vmem>> -> memref<1024xf32, #tpu.memory_space<vmem>>
        %dma_start3A_407 = tpu.memref_slice %arg3[%mul3A_377] : memref<6400000xf32, #tpu.memory_space<hbm>> -> memref<1024xf32, #tpu.memory_space<hbm>>
        tpu.enqueue_dma source(%dma_start3A_407 : memref<1024xf32, #tpu.memory_space<hbm>>) target(%dma_start3A_406 : memref<1024xf32, #tpu.memory_space<vmem>>) target_semaphore(%arg16 : memref<!tpu.dma_semaphore, #tpu.memory_space<semaphore_mem>>)
      } else {
      }
      %mul3A_252 = arith.constant 32 : i32
      %mul3A_253 = arith.muli %while3A_240, %mul3A_252 : i32
      %add3A_254 = arith.addi %add3A, %mul3A_253 : i32
      %mul3A_255 = arith.constant 1024 : i32
      %mul3A_256 = arith.muli %add3A_254, %mul3A_255 : i32
      %dma_wait3A_257 = arith.constant 0 : i32
      %dma_wait3A_258 = arith.constant 0 : i32
      %dma_wait3A_259 = tpu.memref_slice %arg10[%rem3A_244, %dma_wait3A_258] : memref<2x1024xi32, #tpu.memory_space<vmem>> -> memref<1x1024xi32, #tpu.memory_space<vmem>>
      %dma_wait3A_260 = tpu.memref_squeeze %dma_wait3A_259 : memref<1x1024xi32, #tpu.memory_space<vmem>> -> memref<1024xi32, #tpu.memory_space<vmem>>
      %dma_wait3A_261 = tpu.memref_slice %arg2[%dma_wait3A_257, %mul3A_256] : memref<2x6400000xi32, #tpu.memory_space<hbm>> -> memref<1x1024xi32, #tpu.memory_space<hbm>>
      %dma_wait3A_262 = tpu.memref_squeeze %dma_wait3A_261 : memref<1x1024xi32, #tpu.memory_space<hbm>> -> memref<1024xi32, #tpu.memory_space<hbm>>
      %dma_wait3A_263 = arith.constant 0 : i32
      %dma_wait3A_264 = tpu.memref_slice %arg10[%rem3A_244, %dma_wait3A_263] : memref<2x1024xi32, #tpu.memory_space<vmem>> -> memref<1x1024xi32, #tpu.memory_space<vmem>>
      %dma_wait3A_265 = tpu.memref_squeeze %dma_wait3A_264 : memref<1x1024xi32, #tpu.memory_space<vmem>> -> memref<1024xi32, #tpu.memory_space<vmem>>
      %dma_wait3A_266 = tpu.memref_slice %arg2[%dma_wait3A_257, %mul3A_256] : memref<2x6400000xi32, #tpu.memory_space<hbm>> -> memref<1x1024xi32, #tpu.memory_space<hbm>>
      %dma_wait3A_267 = tpu.memref_squeeze %dma_wait3A_266 : memref<1x1024xi32, #tpu.memory_space<hbm>> -> memref<1024xi32, #tpu.memory_space<hbm>>
      tpu.wait_dma2 semaphore(%arg16 : memref<!tpu.dma_semaphore, #tpu.memory_space<semaphore_mem>>) src(%dma_wait3A_267 : memref<1024xi32, #tpu.memory_space<hbm>>) dst(%dma_wait3A_265 : memref<1024xi32, #tpu.memory_space<vmem>>)
      %dma_wait3A_268 = arith.constant 1 : i32
      %dma_wait3A_269 = arith.constant 0 : i32
      %dma_wait3A_270 = tpu.memref_slice %arg11[%rem3A_244, %dma_wait3A_269] : memref<2x1024xi32, #tpu.memory_space<vmem>> -> memref<1x1024xi32, #tpu.memory_space<vmem>>
      %dma_wait3A_271 = tpu.memref_squeeze %dma_wait3A_270 : memref<1x1024xi32, #tpu.memory_space<vmem>> -> memref<1024xi32, #tpu.memory_space<vmem>>
      %dma_wait3A_272 = tpu.memref_slice %arg2[%dma_wait3A_268, %mul3A_256] : memref<2x6400000xi32, #tpu.memory_space<hbm>> -> memref<1x1024xi32, #tpu.memory_space<hbm>>
      %dma_wait3A_273 = tpu.memref_squeeze %dma_wait3A_272 : memref<1x1024xi32, #tpu.memory_space<hbm>> -> memref<1024xi32, #tpu.memory_space<hbm>>
      %dma_wait3A_274 = arith.constant 0 : i32
      %dma_wait3A_275 = tpu.memref_slice %arg11[%rem3A_244, %dma_wait3A_274] : memref<2x1024xi32, #tpu.memory_space<vmem>> -> memref<1x1024xi32, #tpu.memory_space<vmem>>
      %dma_wait3A_276 = tpu.memref_squeeze %dma_wait3A_275 : memref<1x1024xi32, #tpu.memory_space<vmem>> -> memref<1024xi32, #tpu.memory_space<vmem>>
      %dma_wait3A_277 = tpu.memref_slice %arg2[%dma_wait3A_268, %mul3A_256] : memref<2x6400000xi32, #tpu.memory_space<hbm>> -> memref<1x1024xi32, #tpu.memory_space<hbm>>
      %dma_wait3A_278 = tpu.memref_squeeze %dma_wait3A_277 : memref<1x1024xi32, #tpu.memory_space<hbm>> -> memref<1024xi32, #tpu.memory_space<hbm>>
      tpu.wait_dma2 semaphore(%arg16 : memref<!tpu.dma_semaphore, #tpu.memory_space<semaphore_mem>>) src(%dma_wait3A_278 : memref<1024xi32, #tpu.memory_space<hbm>>) dst(%dma_wait3A_276 : memref<1024xi32, #tpu.memory_space<vmem>>)
      %dma_wait3A_279 = arith.constant 0 : i32
      %dma_wait3A_280 = tpu.memref_slice %arg12[%rem3A_244, %dma_wait3A_279] : memref<2x1024xf32, #tpu.memory_space<vmem>> -> memref<1x1024xf32, #tpu.memory_space<vmem>>
      %dma_wait3A_281 = tpu.memref_squeeze %dma_wait3A_280 : memref<1x1024xf32, #tpu.memory_space<vmem>> -> memref<1024xf32, #tpu.memory_space<vmem>>
      %dma_wait3A_282 = tpu.memref_slice %arg3[%mul3A_256] : memref<6400000xf32, #tpu.memory_space<hbm>> -> memref<1024xf32, #tpu.memory_space<hbm>>
      %dma_wait3A_283 = arith.constant 0 : i32
      %dma_wait3A_284 = tpu.memref_slice %arg12[%rem3A_244, %dma_wait3A_283] : memref<2x1024xf32, #tpu.memory_space<vmem>> -> memref<1x1024xf32, #tpu.memory_space<vmem>>
      %dma_wait3A_285 = tpu.memref_squeeze %dma_wait3A_284 : memref<1x1024xf32, #tpu.memory_space<vmem>> -> memref<1024xf32, #tpu.memory_space<vmem>>
      %dma_wait3A_286 = tpu.memref_slice %arg3[%mul3A_256] : memref<6400000xf32, #tpu.memory_space<hbm>> -> memref<1024xf32, #tpu.memory_space<hbm>>
      tpu.wait_dma2 semaphore(%arg16 : memref<!tpu.dma_semaphore, #tpu.memory_space<semaphore_mem>>) src(%dma_wait3A_286 : memref<1024xf32, #tpu.memory_space<hbm>>) dst(%dma_wait3A_285 : memref<1024xf32, #tpu.memory_space<vmem>>)
      %parallel_loop3A = arith.constant 0 : i32
      %parallel_loop3A_287 = arith.constant 1024 : i32
      %parallel_loop3A_288 = arith.constant 16 : i32
      scf.for %parallel_loop3A_369 = %parallel_loop3A to %parallel_loop3A_287 step %parallel_loop3A_288  : i32 {
        %parallel_loop3A_370 = arith.index_cast %rem3A_244 : i32 to index
        %parallel_loop3A_371 = arith.index_cast %parallel_loop3A_369 : i32 to index
        %parallel_loop3A_372 = tpu.vector_load %arg10[%parallel_loop3A_370, %parallel_loop3A_371] {strides = array<i32>} : memref<2x1024xi32, #tpu.memory_space<vmem>>, vector<16xi32>,
        %parallel_loop3A_373 = arith.index_cast %rem3A_244 : i32 to index
        %parallel_loop3A_374 = arith.index_cast %parallel_loop3A_369 : i32 to index
        %parallel_loop3A_375 = tpu.vector_load %arg11[%parallel_loop3A_373, %parallel_loop3A_374] {strides = array<i32>} : memref<2x1024xi32, #tpu.memory_space<vmem>>, vector<16xi32>,
        %parallel_loop3A_376 = arith.index_cast %rem3A_244 : i32 to index
        %parallel_loop3A_377 = arith.index_cast %parallel_loop3A_369 : i32 to index
        %parallel_loop3A_378 = tpu.vector_load %arg12[%parallel_loop3A_376, %parallel_loop3A_377] {strides = array<i32>} : memref<2x1024xf32, #tpu.memory_space<vmem>>, vector<16xf32>,
        %parallel_loop3A_379 = tpu.vector_load_idx %arg8[%parallel_loop3A_372] : memref<100000xi32, #tpu.memory_space<vmem>>[vector<16xi32>], vector<16xi32>,
        %parallel_loop3A_380 = tpu.vector_load_idx %arg8[%parallel_loop3A_375] : memref<100000xi32, #tpu.memory_space<vmem>>[vector<16xi32>], vector<16xi32>,
        %parallel_loop3A_381 = tpu.vector_load_idx %arg9[%parallel_loop3A_379, %parallel_loop3A_380] : memref<64x64xf32, #tpu.memory_space<vmem>>[vector<16xi32>, vector<16xi32>], vector<16xf32>,
        %parallel_loop3A_382 = arith.constant 7 : i32
        %parallel_loop3A_383 = arith.shrui %parallel_loop3A_369, %parallel_loop3A_382 : i32
        %parallel_loop3A_384 = arith.constant 127 : i32
        %parallel_loop3A_385 = arith.andi %parallel_loop3A_369, %parallel_loop3A_384 : i32
        %parallel_loop3A_386 = arith.index_cast %rem3A_242 : i32 to index
        %parallel_loop3A_387 = arith.index_cast %parallel_loop3A_383 : i32 to index
        %parallel_loop3A_388 = arith.index_cast %parallel_loop3A_385 : i32 to index
        %parallel_loop3A_389 = tpu.vector_load %arg13[%parallel_loop3A_386, %parallel_loop3A_387, %parallel_loop3A_388] {strides = array<i32>} : memref<3x8x128xi32, #tpu.memory_space<vmem>>, vector<16xi32>,
        tpu.vector_store %arg13[%parallel_loop3A_386, %parallel_loop3A_387, %parallel_loop3A_388], %parallel_loop3A_372 {strides = array<i32>} : memref<3x8x128xi32, #tpu.memory_space<vmem>>, vector<16xi32>,
        %parallel_loop3A_390 = arith.mulf %parallel_loop3A_378, %parallel_loop3A_381 : vector<16xf32>
        %parallel_loop3A_391 = arith.index_cast %rem3A_242 : i32 to index
        %parallel_loop3A_392 = arith.index_cast %parallel_loop3A_383 : i32 to index
        %parallel_loop3A_393 = arith.index_cast %parallel_loop3A_385 : i32 to index
        %parallel_loop3A_394 = tpu.vector_load %arg14[%parallel_loop3A_391, %parallel_loop3A_392, %parallel_loop3A_393] {strides = array<i32>} : memref<3x8x128xf32, #tpu.memory_space<vmem>>, vector<16xf32>,
        tpu.vector_store %arg14[%parallel_loop3A_391, %parallel_loop3A_392, %parallel_loop3A_393], %parallel_loop3A_390 {strides = array<i32>} : memref<3x8x128xf32, #tpu.memory_space<vmem>>, vector<16xf32>,
      } {sc.loop_unroll_factor = 8 : i64, sc.parallel_access}
      %dma_start3A_289 = arith.constant 0 : i32
      %dma_start3A_290 = arith.constant 0 : i32
      %dma_start3A_291 = arith.constant 0 : i32
      %dma_start3A_292 = tpu.memref_slice %arg14[%rem3A_242, %dma_start3A_289, %dma_start3A_291] : memref<3x8x128xf32, #tpu.memory_space<vmem>> -> memref<1x1x128xf32, #tpu.memory_space<vmem>>
      %dma_start3A_293 = tpu.memref_squeeze %dma_start3A_292 : memref<1x1x128xf32, #tpu.memory_space<vmem>> -> memref<128xf32, #tpu.memory_space<vmem>>
      %dma_start3A_294 = arith.constant 0 : i32
      %dma_start3A_295 = tpu.memref_slice %arg13[%rem3A_242, %dma_start3A_290, %dma_start3A_294] : memref<3x8x128xi32, #tpu.memory_space<vmem>> -> memref<1x1x128xi32, #tpu.memory_space<vmem>>
      %dma_start3A_296 = tpu.memref_squeeze %dma_start3A_295 : memref<1x1x128xi32, #tpu.memory_space<vmem>> -> memref<128xi32, #tpu.memory_space<vmem>>
      %dma_start3A_297 = arith.constant 0 : i32
      %dma_start3A_298 = tpu.memref_slice %arg15[%dma_start3A_297] : memref<100352xf32, #tpu.memory_space<vmem_shared>> -> memref<100352xf32, #tpu.memory_space<vmem_shared>>
      tpu.enqueue_indirect_dma source(%dma_start3A_293 : memref<128xf32, #tpu.memory_space<vmem>>) target(%dma_start3A_298 : memref<100352xf32, #tpu.memory_space<vmem_shared>>) offsets(%dma_start3A_296 : memref<128xi32, #tpu.memory_space<vmem>>) semaphore(%arg17 : memref<!tpu.dma_semaphore, #tpu.memory_space<semaphore_mem>>) {add = true}
      %dma_start3A_299 = arith.constant 1 : i32
      %dma_start3A_300 = arith.constant 1 : i32
      %dma_start3A_301 = arith.constant 0 : i32
      %dma_start3A_302 = tpu.memref_slice %arg14[%rem3A_242, %dma_start3A_299, %dma_start3A_301] : memref<3x8x128xf32, #tpu.memory_space<vmem>> -> memref<1x1x128xf32, #tpu.memory_space<vmem>>
      %dma_start3A_303 = tpu.memref_squeeze %dma_start3A_302 : memref<1x1x128xf32, #tpu.memory_space<vmem>> -> memref<128xf32, #tpu.memory_space<vmem>>
      %dma_start3A_304 = arith.constant 0 : i32
      %dma_start3A_305 = tpu.memref_slice %arg13[%rem3A_242, %dma_start3A_300, %dma_start3A_304] : memref<3x8x128xi32, #tpu.memory_space<vmem>> -> memref<1x1x128xi32, #tpu.memory_space<vmem>>
      %dma_start3A_306 = tpu.memref_squeeze %dma_start3A_305 : memref<1x1x128xi32, #tpu.memory_space<vmem>> -> memref<128xi32, #tpu.memory_space<vmem>>
      %dma_start3A_307 = arith.constant 0 : i32
      %dma_start3A_308 = tpu.memref_slice %arg15[%dma_start3A_307] : memref<100352xf32, #tpu.memory_space<vmem_shared>> -> memref<100352xf32, #tpu.memory_space<vmem_shared>>
      tpu.enqueue_indirect_dma source(%dma_start3A_303 : memref<128xf32, #tpu.memory_space<vmem>>) target(%dma_start3A_308 : memref<100352xf32, #tpu.memory_space<vmem_shared>>) offsets(%dma_start3A_306 : memref<128xi32, #tpu.memory_space<vmem>>) semaphore(%arg17 : memref<!tpu.dma_semaphore, #tpu.memory_space<semaphore_mem>>) {add = true}
      %dma_start3A_309 = arith.constant 2 : i32
      %dma_start3A_310 = arith.constant 2 : i32
      %dma_start3A_311 = arith.constant 0 : i32
      %dma_start3A_312 = tpu.memref_slice %arg14[%rem3A_242, %dma_start3A_309, %dma_start3A_311] : memref<3x8x128xf32, #tpu.memory_space<vmem>> -> memref<1x1x128xf32, #tpu.memory_space<vmem>>
      %dma_start3A_313 = tpu.memref_squeeze %dma_start3A_312 : memref<1x1x128xf32, #tpu.memory_space<vmem>> -> memref<128xf32, #tpu.memory_space<vmem>>
      %dma_start3A_314 = arith.constant 0 : i32
      %dma_start3A_315 = tpu.memref_slice %arg13[%rem3A_242, %dma_start3A_310, %dma_start3A_314] : memref<3x8x128xi32, #tpu.memory_space<vmem>> -> memref<1x1x128xi32, #tpu.memory_space<vmem>>
      %dma_start3A_316 = tpu.memref_squeeze %dma_start3A_315 : memref<1x1x128xi32, #tpu.memory_space<vmem>> -> memref<128xi32, #tpu.memory_space<vmem>>
      %dma_start3A_317 = arith.constant 0 : i32
      %dma_start3A_318 = tpu.memref_slice %arg15[%dma_start3A_317] : memref<100352xf32, #tpu.memory_space<vmem_shared>> -> memref<100352xf32, #tpu.memory_space<vmem_shared>>
      tpu.enqueue_indirect_dma source(%dma_start3A_313 : memref<128xf32, #tpu.memory_space<vmem>>) target(%dma_start3A_318 : memref<100352xf32, #tpu.memory_space<vmem_shared>>) offsets(%dma_start3A_316 : memref<128xi32, #tpu.memory_space<vmem>>) semaphore(%arg17 : memref<!tpu.dma_semaphore, #tpu.memory_space<semaphore_mem>>) {add = true}
      %dma_start3A_319 = arith.constant 3 : i32
      %dma_start3A_320 = arith.constant 3 : i32
      %dma_start3A_321 = arith.constant 0 : i32
      %dma_start3A_322 = tpu.memref_slice %arg14[%rem3A_242, %dma_start3A_319, %dma_start3A_321] : memref<3x8x128xf32, #tpu.memory_space<vmem>> -> memref<1x1x128xf32, #tpu.memory_space<vmem>>
      %dma_start3A_323 = tpu.memref_squeeze %dma_start3A_322 : memref<1x1x128xf32, #tpu.memory_space<vmem>> -> memref<128xf32, #tpu.memory_space<vmem>>
      %dma_start3A_324 = arith.constant 0 : i32
      %dma_start3A_325 = tpu.memref_slice %arg13[%rem3A_242, %dma_start3A_320, %dma_start3A_324] : memref<3x8x128xi32, #tpu.memory_space<vmem>> -> memref<1x1x128xi32, #tpu.memory_space<vmem>>
      %dma_start3A_326 = tpu.memref_squeeze %dma_start3A_325 : memref<1x1x128xi32, #tpu.memory_space<vmem>> -> memref<128xi32, #tpu.memory_space<vmem>>
      %dma_start3A_327 = arith.constant 0 : i32
      %dma_start3A_328 = tpu.memref_slice %arg15[%dma_start3A_327] : memref<100352xf32, #tpu.memory_space<vmem_shared>> -> memref<100352xf32, #tpu.memory_space<vmem_shared>>
      tpu.enqueue_indirect_dma source(%dma_start3A_323 : memref<128xf32, #tpu.memory_space<vmem>>) target(%dma_start3A_328 : memref<100352xf32, #tpu.memory_space<vmem_shared>>) offsets(%dma_start3A_326 : memref<128xi32, #tpu.memory_space<vmem>>) semaphore(%arg17 : memref<!tpu.dma_semaphore, #tpu.memory_space<semaphore_mem>>) {add = true}
      %dma_start3A_329 = arith.constant 4 : i32
      %dma_start3A_330 = arith.constant 4 : i32
      %dma_start3A_331 = arith.constant 0 : i32
      %dma_start3A_332 = tpu.memref_slice %arg14[%rem3A_242, %dma_start3A_329, %dma_start3A_331] : memref<3x8x128xf32, #tpu.memory_space<vmem>> -> memref<1x1x128xf32, #tpu.memory_space<vmem>>
      %dma_start3A_333 = tpu.memref_squeeze %dma_start3A_332 : memref<1x1x128xf32, #tpu.memory_space<vmem>> -> memref<128xf32, #tpu.memory_space<vmem>>
      %dma_start3A_334 = arith.constant 0 : i32
      %dma_start3A_335 = tpu.memref_slice %arg13[%rem3A_242, %dma_start3A_330, %dma_start3A_334] : memref<3x8x128xi32, #tpu.memory_space<vmem>> -> memref<1x1x128xi32, #tpu.memory_space<vmem>>
      %dma_start3A_336 = tpu.memref_squeeze %dma_start3A_335 : memref<1x1x128xi32, #tpu.memory_space<vmem>> -> memref<128xi32, #tpu.memory_space<vmem>>
      %dma_start3A_337 = arith.constant 0 : i32
      %dma_start3A_338 = tpu.memref_slice %arg15[%dma_start3A_337] : memref<100352xf32, #tpu.memory_space<vmem_shared>> -> memref<100352xf32, #tpu.memory_space<vmem_shared>>
      tpu.enqueue_indirect_dma source(%dma_start3A_333 : memref<128xf32, #tpu.memory_space<vmem>>) target(%dma_start3A_338 : memref<100352xf32, #tpu.memory_space<vmem_shared>>) offsets(%dma_start3A_336 : memref<128xi32, #tpu.memory_space<vmem>>) semaphore(%arg17 : memref<!tpu.dma_semaphore, #tpu.memory_space<semaphore_mem>>) {add = true}
      %dma_start3A_339 = arith.constant 5 : i32
      %dma_start3A_340 = arith.constant 5 : i32
      %dma_start3A_341 = arith.constant 0 : i32
      %dma_start3A_342 = tpu.memref_slice %arg14[%rem3A_242, %dma_start3A_339, %dma_start3A_341] : memref<3x8x128xf32, #tpu.memory_space<vmem>> -> memref<1x1x128xf32, #tpu.memory_space<vmem>>
      %dma_start3A_343 = tpu.memref_squeeze %dma_start3A_342 : memref<1x1x128xf32, #tpu.memory_space<vmem>> -> memref<128xf32, #tpu.memory_space<vmem>>
      %dma_start3A_344 = arith.constant 0 : i32
      %dma_start3A_345 = tpu.memref_slice %arg13[%rem3A_242, %dma_start3A_340, %dma_start3A_344] : memref<3x8x128xi32, #tpu.memory_space<vmem>> -> memref<1x1x128xi32, #tpu.memory_space<vmem>>
      %dma_start3A_346 = tpu.memref_squeeze %dma_start3A_345 : memref<1x1x128xi32, #tpu.memory_space<vmem>> -> memref<128xi32, #tpu.memory_space<vmem>>
      %dma_start3A_347 = arith.constant 0 : i32
      %dma_start3A_348 = tpu.memref_slice %arg15[%dma_start3A_347] : memref<100352xf32, #tpu.memory_space<vmem_shared>> -> memref<100352xf32, #tpu.memory_space<vmem_shared>>
      tpu.enqueue_indirect_dma source(%dma_start3A_343 : memref<128xf32, #tpu.memory_space<vmem>>) target(%dma_start3A_348 : memref<100352xf32, #tpu.memory_space<vmem_shared>>) offsets(%dma_start3A_346 : memref<128xi32, #tpu.memory_space<vmem>>) semaphore(%arg17 : memref<!tpu.dma_semaphore, #tpu.memory_space<semaphore_mem>>) {add = true}
      %dma_start3A_349 = arith.constant 6 : i32
      %dma_start3A_350 = arith.constant 6 : i32
      %dma_start3A_351 = arith.constant 0 : i32
      %dma_start3A_352 = tpu.memref_slice %arg14[%rem3A_242, %dma_start3A_349, %dma_start3A_351] : memref<3x8x128xf32, #tpu.memory_space<vmem>> -> memref<1x1x128xf32, #tpu.memory_space<vmem>>
      %dma_start3A_353 = tpu.memref_squeeze %dma_start3A_352 : memref<1x1x128xf32, #tpu.memory_space<vmem>> -> memref<128xf32, #tpu.memory_space<vmem>>
      %dma_start3A_354 = arith.constant 0 : i32
      %dma_start3A_355 = tpu.memref_slice %arg13[%rem3A_242, %dma_start3A_350, %dma_start3A_354] : memref<3x8x128xi32, #tpu.memory_space<vmem>> -> memref<1x1x128xi32, #tpu.memory_space<vmem>>
      %dma_start3A_356 = tpu.memref_squeeze %dma_start3A_355 : memref<1x1x128xi32, #tpu.memory_space<vmem>> -> memref<128xi32, #tpu.memory_space<vmem>>
      %dma_start3A_357 = arith.constant 0 : i32
      %dma_start3A_358 = tpu.memref_slice %arg15[%dma_start3A_357] : memref<100352xf32, #tpu.memory_space<vmem_shared>> -> memref<100352xf32, #tpu.memory_space<vmem_shared>>
      tpu.enqueue_indirect_dma source(%dma_start3A_353 : memref<128xf32, #tpu.memory_space<vmem>>) target(%dma_start3A_358 : memref<100352xf32, #tpu.memory_space<vmem_shared>>) offsets(%dma_start3A_356 : memref<128xi32, #tpu.memory_space<vmem>>) semaphore(%arg17 : memref<!tpu.dma_semaphore, #tpu.memory_space<semaphore_mem>>) {add = true}
      %dma_start3A_359 = arith.constant 7 : i32
      %dma_start3A_360 = arith.constant 7 : i32
      %dma_start3A_361 = arith.constant 0 : i32
      %dma_start3A_362 = tpu.memref_slice %arg14[%rem3A_242, %dma_start3A_359, %dma_start3A_361] : memref<3x8x128xf32, #tpu.memory_space<vmem>> -> memref<1x1x128xf32, #tpu.memory_space<vmem>>
      %dma_start3A_363 = tpu.memref_squeeze %dma_start3A_362 : memref<1x1x128xf32, #tpu.memory_space<vmem>> -> memref<128xf32, #tpu.memory_space<vmem>>
      %dma_start3A_364 = arith.constant 0 : i32
      %dma_start3A_365 = tpu.memref_slice %arg13[%rem3A_242, %dma_start3A_360, %dma_start3A_364] : memref<3x8x128xi32, #tpu.memory_space<vmem>> -> memref<1x1x128xi32, #tpu.memory_space<vmem>>
      %dma_start3A_366 = tpu.memref_squeeze %dma_start3A_365 : memref<1x1x128xi32, #tpu.memory_space<vmem>> -> memref<128xi32, #tpu.memory_space<vmem>>
      %dma_start3A_367 = arith.constant 0 : i32
      %dma_start3A_368 = tpu.memref_slice %arg15[%dma_start3A_367] : memref<100352xf32, #tpu.memory_space<vmem_shared>> -> memref<100352xf32, #tpu.memory_space<vmem_shared>>
      tpu.enqueue_indirect_dma source(%dma_start3A_363 : memref<128xf32, #tpu.memory_space<vmem>>) target(%dma_start3A_368 : memref<100352xf32, #tpu.memory_space<vmem_shared>>) offsets(%dma_start3A_366 : memref<128xi32, #tpu.memory_space<vmem>>) semaphore(%arg17 : memref<!tpu.dma_semaphore, #tpu.memory_space<semaphore_mem>>) {add = true}
    }
    %sub3A_68 = arith.constant 2 : i32
    %sub3A_69 = arith.subi %add3A_22, %sub3A_68 : i32
    %rem3A_70 = arith.constant 3 : i32
    %rem3A_71 = arith.remsi %sub3A_69, %rem3A_70 : i32
    %dma_wait3A = arith.constant 0 : i32
    %dma_wait3A_72 = arith.constant 0 : i32
    %dma_wait3A_73 = arith.constant 0 : i32
    %dma_wait3A_74 = tpu.memref_slice %arg14[%rem3A_71, %dma_wait3A, %dma_wait3A_73] : memref<3x8x128xf32, #tpu.memory_space<vmem>> -> memref<1x1x128xf32, #tpu.memory_space<vmem>>
    %dma_wait3A_75 = tpu.memref_squeeze %dma_wait3A_74 : memref<1x1x128xf32, #tpu.memory_space<vmem>> -> memref<128xf32, #tpu.memory_space<vmem>>
    %dma_wait3A_76 = arith.constant 0 : i32
    %dma_wait3A_77 = tpu.memref_slice %arg13[%rem3A_71, %dma_wait3A_72, %dma_wait3A_76] : memref<3x8x128xi32, #tpu.memory_space<vmem>> -> memref<1x1x128xi32, #tpu.memory_space<vmem>>
    %dma_wait3A_78 = tpu.memref_squeeze %dma_wait3A_77 : memref<1x1x128xi32, #tpu.memory_space<vmem>> -> memref<128xi32, #tpu.memory_space<vmem>>
    %dma_wait3A_79 = arith.constant 0 : i32
    %dma_wait3A_80 = tpu.memref_slice %arg15[%dma_wait3A_79] : memref<100352xf32, #tpu.memory_space<vmem_shared>> -> memref<100352xf32, #tpu.memory_space<vmem_shared>>
    tpu.wait_indirect_dma semaphore(%arg17 : memref<!tpu.dma_semaphore, #tpu.memory_space<semaphore_mem>>) src(%dma_wait3A_75 : memref<128xf32, #tpu.memory_space<vmem>>) dst(%dma_wait3A_80 : memref<100352xf32, #tpu.memory_space<vmem_shared>>)
    %dma_wait3A_81 = arith.constant 1 : i32
    %dma_wait3A_82 = arith.constant 1 : i32
    %dma_wait3A_83 = arith.constant 0 : i32
    %dma_wait3A_84 = tpu.memref_slice %arg14[%rem3A_71, %dma_wait3A_81, %dma_wait3A_83] : memref<3x8x128xf32, #tpu.memory_space<vmem>> -> memref<1x1x128xf32, #tpu.memory_space<vmem>>
    %dma_wait3A_85 = tpu.memref_squeeze %dma_wait3A_84 : memref<1x1x128xf32, #tpu.memory_space<vmem>> -> memref<128xf32, #tpu.memory_space<vmem>>
    %dma_wait3A_86 = arith.constant 0 : i32
    %dma_wait3A_87 = tpu.memref_slice %arg13[%rem3A_71, %dma_wait3A_82, %dma_wait3A_86] : memref<3x8x128xi32, #tpu.memory_space<vmem>> -> memref<1x1x128xi32, #tpu.memory_space<vmem>>
    %dma_wait3A_88 = tpu.memref_squeeze %dma_wait3A_87 : memref<1x1x128xi32, #tpu.memory_space<vmem>> -> memref<128xi32, #tpu.memory_space<vmem>>
    %dma_wait3A_89 = arith.constant 0 : i32
    %dma_wait3A_90 = tpu.memref_slice %arg15[%dma_wait3A_89] : memref<100352xf32, #tpu.memory_space<vmem_shared>> -> memref<100352xf32, #tpu.memory_space<vmem_shared>>
    tpu.wait_indirect_dma semaphore(%arg17 : memref<!tpu.dma_semaphore, #tpu.memory_space<semaphore_mem>>) src(%dma_wait3A_85 : memref<128xf32, #tpu.memory_space<vmem>>) dst(%dma_wait3A_90 : memref<100352xf32, #tpu.memory_space<vmem_shared>>)
    %dma_wait3A_91 = arith.constant 2 : i32
    %dma_wait3A_92 = arith.constant 2 : i32
    %dma_wait3A_93 = arith.constant 0 : i32
    %dma_wait3A_94 = tpu.memref_slice %arg14[%rem3A_71, %dma_wait3A_91, %dma_wait3A_93] : memref<3x8x128xf32, #tpu.memory_space<vmem>> -> memref<1x1x128xf32, #tpu.memory_space<vmem>>
    %dma_wait3A_95 = tpu.memref_squeeze %dma_wait3A_94 : memref<1x1x128xf32, #tpu.memory_space<vmem>> -> memref<128xf32, #tpu.memory_space<vmem>>
    %dma_wait3A_96 = arith.constant 0 : i32
    %dma_wait3A_97 = tpu.memref_slice %arg13[%rem3A_71, %dma_wait3A_92, %dma_wait3A_96] : memref<3x8x128xi32, #tpu.memory_space<vmem>> -> memref<1x1x128xi32, #tpu.memory_space<vmem>>
    %dma_wait3A_98 = tpu.memref_squeeze %dma_wait3A_97 : memref<1x1x128xi32, #tpu.memory_space<vmem>> -> memref<128xi32, #tpu.memory_space<vmem>>
    %dma_wait3A_99 = arith.constant 0 : i32
    %dma_wait3A_100 = tpu.memref_slice %arg15[%dma_wait3A_99] : memref<100352xf32, #tpu.memory_space<vmem_shared>> -> memref<100352xf32, #tpu.memory_space<vmem_shared>>
    tpu.wait_indirect_dma semaphore(%arg17 : memref<!tpu.dma_semaphore, #tpu.memory_space<semaphore_mem>>) src(%dma_wait3A_95 : memref<128xf32, #tpu.memory_space<vmem>>) dst(%dma_wait3A_100 : memref<100352xf32, #tpu.memory_space<vmem_shared>>)
    %dma_wait3A_101 = arith.constant 3 : i32
    %dma_wait3A_102 = arith.constant 3 : i32
    %dma_wait3A_103 = arith.constant 0 : i32
    %dma_wait3A_104 = tpu.memref_slice %arg14[%rem3A_71, %dma_wait3A_101, %dma_wait3A_103] : memref<3x8x128xf32, #tpu.memory_space<vmem>> -> memref<1x1x128xf32, #tpu.memory_space<vmem>>
    %dma_wait3A_105 = tpu.memref_squeeze %dma_wait3A_104 : memref<1x1x128xf32, #tpu.memory_space<vmem>> -> memref<128xf32, #tpu.memory_space<vmem>>
    %dma_wait3A_106 = arith.constant 0 : i32
    %dma_wait3A_107 = tpu.memref_slice %arg13[%rem3A_71, %dma_wait3A_102, %dma_wait3A_106] : memref<3x8x128xi32, #tpu.memory_space<vmem>> -> memref<1x1x128xi32, #tpu.memory_space<vmem>>
    %dma_wait3A_108 = tpu.memref_squeeze %dma_wait3A_107 : memref<1x1x128xi32, #tpu.memory_space<vmem>> -> memref<128xi32, #tpu.memory_space<vmem>>
    %dma_wait3A_109 = arith.constant 0 : i32
    %dma_wait3A_110 = tpu.memref_slice %arg15[%dma_wait3A_109] : memref<100352xf32, #tpu.memory_space<vmem_shared>> -> memref<100352xf32, #tpu.memory_space<vmem_shared>>
    tpu.wait_indirect_dma semaphore(%arg17 : memref<!tpu.dma_semaphore, #tpu.memory_space<semaphore_mem>>) src(%dma_wait3A_105 : memref<128xf32, #tpu.memory_space<vmem>>) dst(%dma_wait3A_110 : memref<100352xf32, #tpu.memory_space<vmem_shared>>)
    %dma_wait3A_111 = arith.constant 4 : i32
    %dma_wait3A_112 = arith.constant 4 : i32
    %dma_wait3A_113 = arith.constant 0 : i32
    %dma_wait3A_114 = tpu.memref_slice %arg14[%rem3A_71, %dma_wait3A_111, %dma_wait3A_113] : memref<3x8x128xf32, #tpu.memory_space<vmem>> -> memref<1x1x128xf32, #tpu.memory_space<vmem>>
    %dma_wait3A_115 = tpu.memref_squeeze %dma_wait3A_114 : memref<1x1x128xf32, #tpu.memory_space<vmem>> -> memref<128xf32, #tpu.memory_space<vmem>>
    %dma_wait3A_116 = arith.constant 0 : i32
    %dma_wait3A_117 = tpu.memref_slice %arg13[%rem3A_71, %dma_wait3A_112, %dma_wait3A_116] : memref<3x8x128xi32, #tpu.memory_space<vmem>> -> memref<1x1x128xi32, #tpu.memory_space<vmem>>
    %dma_wait3A_118 = tpu.memref_squeeze %dma_wait3A_117 : memref<1x1x128xi32, #tpu.memory_space<vmem>> -> memref<128xi32, #tpu.memory_space<vmem>>
    %dma_wait3A_119 = arith.constant 0 : i32
    %dma_wait3A_120 = tpu.memref_slice %arg15[%dma_wait3A_119] : memref<100352xf32, #tpu.memory_space<vmem_shared>> -> memref<100352xf32, #tpu.memory_space<vmem_shared>>
    tpu.wait_indirect_dma semaphore(%arg17 : memref<!tpu.dma_semaphore, #tpu.memory_space<semaphore_mem>>) src(%dma_wait3A_115 : memref<128xf32, #tpu.memory_space<vmem>>) dst(%dma_wait3A_120 : memref<100352xf32, #tpu.memory_space<vmem_shared>>)
    %dma_wait3A_121 = arith.constant 5 : i32
    %dma_wait3A_122 = arith.constant 5 : i32
    %dma_wait3A_123 = arith.constant 0 : i32
    %dma_wait3A_124 = tpu.memref_slice %arg14[%rem3A_71, %dma_wait3A_121, %dma_wait3A_123] : memref<3x8x128xf32, #tpu.memory_space<vmem>> -> memref<1x1x128xf32, #tpu.memory_space<vmem>>
    %dma_wait3A_125 = tpu.memref_squeeze %dma_wait3A_124 : memref<1x1x128xf32, #tpu.memory_space<vmem>> -> memref<128xf32, #tpu.memory_space<vmem>>
    %dma_wait3A_126 = arith.constant 0 : i32
    %dma_wait3A_127 = tpu.memref_slice %arg13[%rem3A_71, %dma_wait3A_122, %dma_wait3A_126] : memref<3x8x128xi32, #tpu.memory_space<vmem>> -> memref<1x1x128xi32, #tpu.memory_space<vmem>>
    %dma_wait3A_128 = tpu.memref_squeeze %dma_wait3A_127 : memref<1x1x128xi32, #tpu.memory_space<vmem>> -> memref<128xi32, #tpu.memory_space<vmem>>
    %dma_wait3A_129 = arith.constant 0 : i32
    %dma_wait3A_130 = tpu.memref_slice %arg15[%dma_wait3A_129] : memref<100352xf32, #tpu.memory_space<vmem_shared>> -> memref<100352xf32, #tpu.memory_space<vmem_shared>>
    tpu.wait_indirect_dma semaphore(%arg17 : memref<!tpu.dma_semaphore, #tpu.memory_space<semaphore_mem>>) src(%dma_wait3A_125 : memref<128xf32, #tpu.memory_space<vmem>>) dst(%dma_wait3A_130 : memref<100352xf32, #tpu.memory_space<vmem_shared>>)
    %dma_wait3A_131 = arith.constant 6 : i32
    %dma_wait3A_132 = arith.constant 6 : i32
    %dma_wait3A_133 = arith.constant 0 : i32
    %dma_wait3A_134 = tpu.memref_slice %arg14[%rem3A_71, %dma_wait3A_131, %dma_wait3A_133] : memref<3x8x128xf32, #tpu.memory_space<vmem>> -> memref<1x1x128xf32, #tpu.memory_space<vmem>>
    %dma_wait3A_135 = tpu.memref_squeeze %dma_wait3A_134 : memref<1x1x128xf32, #tpu.memory_space<vmem>> -> memref<128xf32, #tpu.memory_space<vmem>>
    %dma_wait3A_136 = arith.constant 0 : i32
    %dma_wait3A_137 = tpu.memref_slice %arg13[%rem3A_71, %dma_wait3A_132, %dma_wait3A_136] : memref<3x8x128xi32, #tpu.memory_space<vmem>> -> memref<1x1x128xi32, #tpu.memory_space<vmem>>
    %dma_wait3A_138 = tpu.memref_squeeze %dma_wait3A_137 : memref<1x1x128xi32, #tpu.memory_space<vmem>> -> memref<128xi32, #tpu.memory_space<vmem>>
    %dma_wait3A_139 = arith.constant 0 : i32
    %dma_wait3A_140 = tpu.memref_slice %arg15[%dma_wait3A_139] : memref<100352xf32, #tpu.memory_space<vmem_shared>> -> memref<100352xf32, #tpu.memory_space<vmem_shared>>
    tpu.wait_indirect_dma semaphore(%arg17 : memref<!tpu.dma_semaphore, #tpu.memory_space<semaphore_mem>>) src(%dma_wait3A_135 : memref<128xf32, #tpu.memory_space<vmem>>) dst(%dma_wait3A_140 : memref<100352xf32, #tpu.memory_space<vmem_shared>>)
    %dma_wait3A_141 = arith.constant 7 : i32
    %dma_wait3A_142 = arith.constant 7 : i32
    %dma_wait3A_143 = arith.constant 0 : i32
    %dma_wait3A_144 = tpu.memref_slice %arg14[%rem3A_71, %dma_wait3A_141, %dma_wait3A_143] : memref<3x8x128xf32, #tpu.memory_space<vmem>> -> memref<1x1x128xf32, #tpu.memory_space<vmem>>
    %dma_wait3A_145 = tpu.memref_squeeze %dma_wait3A_144 : memref<1x1x128xf32, #tpu.memory_space<vmem>> -> memref<128xf32, #tpu.memory_space<vmem>>
    %dma_wait3A_146 = arith.constant 0 : i32
    %dma_wait3A_147 = tpu.memref_slice %arg13[%rem3A_71, %dma_wait3A_142, %dma_wait3A_146] : memref<3x8x128xi32, #tpu.memory_space<vmem>> -> memref<1x1x128xi32, #tpu.memory_space<vmem>>
    %dma_wait3A_148 = tpu.memref_squeeze %dma_wait3A_147 : memref<1x1x128xi32, #tpu.memory_space<vmem>> -> memref<128xi32, #tpu.memory_space<vmem>>
    %dma_wait3A_149 = arith.constant 0 : i32
    %dma_wait3A_150 = tpu.memref_slice %arg15[%dma_wait3A_149] : memref<100352xf32, #tpu.memory_space<vmem_shared>> -> memref<100352xf32, #tpu.memory_space<vmem_shared>>
    tpu.wait_indirect_dma semaphore(%arg17 : memref<!tpu.dma_semaphore, #tpu.memory_space<semaphore_mem>>) src(%dma_wait3A_145 : memref<128xf32, #tpu.memory_space<vmem>>) dst(%dma_wait3A_150 : memref<100352xf32, #tpu.memory_space<vmem_shared>>)
    %sub3A_151 = arith.constant 1 : i32
    %sub3A_152 = arith.subi %add3A_22, %sub3A_151 : i32
    %rem3A_153 = arith.constant 3 : i32
    %rem3A_154 = arith.remsi %sub3A_152, %rem3A_153 : i32
    %dma_wait3A_155 = arith.constant 0 : i32
    %dma_wait3A_156 = arith.constant 0 : i32
    %dma_wait3A_157 = arith.constant 0 : i32
    %dma_wait3A_158 = tpu.memref_slice %arg14[%rem3A_154, %dma_wait3A_155, %dma_wait3A_157] : memref<3x8x128xf32, #tpu.memory_space<vmem>> -> memref<1x1x128xf32, #tpu.memory_space<vmem>>
    %dma_wait3A_159 = tpu.memref_squeeze %dma_wait3A_158 : memref<1x1x128xf32, #tpu.memory_space<vmem>> -> memref<128xf32, #tpu.memory_space<vmem>>
    %dma_wait3A_160 = arith.constant 0 : i32
    %dma_wait3A_161 = tpu.memref_slice %arg13[%rem3A_154, %dma_wait3A_156, %dma_wait3A_160] : memref<3x8x128xi32, #tpu.memory_space<vmem>> -> memref<1x1x128xi32, #tpu.memory_space<vmem>>
    %dma_wait3A_162 = tpu.memref_squeeze %dma_wait3A_161 : memref<1x1x128xi32, #tpu.memory_space<vmem>> -> memref<128xi32, #tpu.memory_space<vmem>>
    %dma_wait3A_163 = arith.constant 0 : i32
    %dma_wait3A_164 = tpu.memref_slice %arg15[%dma_wait3A_163] : memref<100352xf32, #tpu.memory_space<vmem_shared>> -> memref<100352xf32, #tpu.memory_space<vmem_shared>>
    tpu.wait_indirect_dma semaphore(%arg17 : memref<!tpu.dma_semaphore, #tpu.memory_space<semaphore_mem>>) src(%dma_wait3A_159 : memref<128xf32, #tpu.memory_space<vmem>>) dst(%dma_wait3A_164 : memref<100352xf32, #tpu.memory_space<vmem_shared>>)
    %dma_wait3A_165 = arith.constant 1 : i32
    %dma_wait3A_166 = arith.constant 1 : i32
    %dma_wait3A_167 = arith.constant 0 : i32
    %dma_wait3A_168 = tpu.memref_slice %arg14[%rem3A_154, %dma_wait3A_165, %dma_wait3A_167] : memref<3x8x128xf32, #tpu.memory_space<vmem>> -> memref<1x1x128xf32, #tpu.memory_space<vmem>>
    %dma_wait3A_169 = tpu.memref_squeeze %dma_wait3A_168 : memref<1x1x128xf32, #tpu.memory_space<vmem>> -> memref<128xf32, #tpu.memory_space<vmem>>
    %dma_wait3A_170 = arith.constant 0 : i32
    %dma_wait3A_171 = tpu.memref_slice %arg13[%rem3A_154, %dma_wait3A_166, %dma_wait3A_170] : memref<3x8x128xi32, #tpu.memory_space<vmem>> -> memref<1x1x128xi32, #tpu.memory_space<vmem>>
    %dma_wait3A_172 = tpu.memref_squeeze %dma_wait3A_171 : memref<1x1x128xi32, #tpu.memory_space<vmem>> -> memref<128xi32, #tpu.memory_space<vmem>>
    %dma_wait3A_173 = arith.constant 0 : i32
    %dma_wait3A_174 = tpu.memref_slice %arg15[%dma_wait3A_173] : memref<100352xf32, #tpu.memory_space<vmem_shared>> -> memref<100352xf32, #tpu.memory_space<vmem_shared>>
    tpu.wait_indirect_dma semaphore(%arg17 : memref<!tpu.dma_semaphore, #tpu.memory_space<semaphore_mem>>) src(%dma_wait3A_169 : memref<128xf32, #tpu.memory_space<vmem>>) dst(%dma_wait3A_174 : memref<100352xf32, #tpu.memory_space<vmem_shared>>)
    %dma_wait3A_175 = arith.constant 2 : i32
    %dma_wait3A_176 = arith.constant 2 : i32
    %dma_wait3A_177 = arith.constant 0 : i32
    %dma_wait3A_178 = tpu.memref_slice %arg14[%rem3A_154, %dma_wait3A_175, %dma_wait3A_177] : memref<3x8x128xf32, #tpu.memory_space<vmem>> -> memref<1x1x128xf32, #tpu.memory_space<vmem>>
    %dma_wait3A_179 = tpu.memref_squeeze %dma_wait3A_178 : memref<1x1x128xf32, #tpu.memory_space<vmem>> -> memref<128xf32, #tpu.memory_space<vmem>>
    %dma_wait3A_180 = arith.constant 0 : i32
    %dma_wait3A_181 = tpu.memref_slice %arg13[%rem3A_154, %dma_wait3A_176, %dma_wait3A_180] : memref<3x8x128xi32, #tpu.memory_space<vmem>> -> memref<1x1x128xi32, #tpu.memory_space<vmem>>
    %dma_wait3A_182 = tpu.memref_squeeze %dma_wait3A_181 : memref<1x1x128xi32, #tpu.memory_space<vmem>> -> memref<128xi32, #tpu.memory_space<vmem>>
    %dma_wait3A_183 = arith.constant 0 : i32
    %dma_wait3A_184 = tpu.memref_slice %arg15[%dma_wait3A_183] : memref<100352xf32, #tpu.memory_space<vmem_shared>> -> memref<100352xf32, #tpu.memory_space<vmem_shared>>
    tpu.wait_indirect_dma semaphore(%arg17 : memref<!tpu.dma_semaphore, #tpu.memory_space<semaphore_mem>>) src(%dma_wait3A_179 : memref<128xf32, #tpu.memory_space<vmem>>) dst(%dma_wait3A_184 : memref<100352xf32, #tpu.memory_space<vmem_shared>>)
    %dma_wait3A_185 = arith.constant 3 : i32
    %dma_wait3A_186 = arith.constant 3 : i32
    %dma_wait3A_187 = arith.constant 0 : i32
    %dma_wait3A_188 = tpu.memref_slice %arg14[%rem3A_154, %dma_wait3A_185, %dma_wait3A_187] : memref<3x8x128xf32, #tpu.memory_space<vmem>> -> memref<1x1x128xf32, #tpu.memory_space<vmem>>
    %dma_wait3A_189 = tpu.memref_squeeze %dma_wait3A_188 : memref<1x1x128xf32, #tpu.memory_space<vmem>> -> memref<128xf32, #tpu.memory_space<vmem>>
    %dma_wait3A_190 = arith.constant 0 : i32
    %dma_wait3A_191 = tpu.memref_slice %arg13[%rem3A_154, %dma_wait3A_186, %dma_wait3A_190] : memref<3x8x128xi32, #tpu.memory_space<vmem>> -> memref<1x1x128xi32, #tpu.memory_space<vmem>>
    %dma_wait3A_192 = tpu.memref_squeeze %dma_wait3A_191 : memref<1x1x128xi32, #tpu.memory_space<vmem>> -> memref<128xi32, #tpu.memory_space<vmem>>
    %dma_wait3A_193 = arith.constant 0 : i32
    %dma_wait3A_194 = tpu.memref_slice %arg15[%dma_wait3A_193] : memref<100352xf32, #tpu.memory_space<vmem_shared>> -> memref<100352xf32, #tpu.memory_space<vmem_shared>>
    tpu.wait_indirect_dma semaphore(%arg17 : memref<!tpu.dma_semaphore, #tpu.memory_space<semaphore_mem>>) src(%dma_wait3A_189 : memref<128xf32, #tpu.memory_space<vmem>>) dst(%dma_wait3A_194 : memref<100352xf32, #tpu.memory_space<vmem_shared>>)
    %dma_wait3A_195 = arith.constant 4 : i32
    %dma_wait3A_196 = arith.constant 4 : i32
    %dma_wait3A_197 = arith.constant 0 : i32
    %dma_wait3A_198 = tpu.memref_slice %arg14[%rem3A_154, %dma_wait3A_195, %dma_wait3A_197] : memref<3x8x128xf32, #tpu.memory_space<vmem>> -> memref<1x1x128xf32, #tpu.memory_space<vmem>>
    %dma_wait3A_199 = tpu.memref_squeeze %dma_wait3A_198 : memref<1x1x128xf32, #tpu.memory_space<vmem>> -> memref<128xf32, #tpu.memory_space<vmem>>
    %dma_wait3A_200 = arith.constant 0 : i32
    %dma_wait3A_201 = tpu.memref_slice %arg13[%rem3A_154, %dma_wait3A_196, %dma_wait3A_200] : memref<3x8x128xi32, #tpu.memory_space<vmem>> -> memref<1x1x128xi32, #tpu.memory_space<vmem>>
    %dma_wait3A_202 = tpu.memref_squeeze %dma_wait3A_201 : memref<1x1x128xi32, #tpu.memory_space<vmem>> -> memref<128xi32, #tpu.memory_space<vmem>>
    %dma_wait3A_203 = arith.constant 0 : i32
    %dma_wait3A_204 = tpu.memref_slice %arg15[%dma_wait3A_203] : memref<100352xf32, #tpu.memory_space<vmem_shared>> -> memref<100352xf32, #tpu.memory_space<vmem_shared>>
    tpu.wait_indirect_dma semaphore(%arg17 : memref<!tpu.dma_semaphore, #tpu.memory_space<semaphore_mem>>) src(%dma_wait3A_199 : memref<128xf32, #tpu.memory_space<vmem>>) dst(%dma_wait3A_204 : memref<100352xf32, #tpu.memory_space<vmem_shared>>)
    %dma_wait3A_205 = arith.constant 5 : i32
    %dma_wait3A_206 = arith.constant 5 : i32
    %dma_wait3A_207 = arith.constant 0 : i32
    %dma_wait3A_208 = tpu.memref_slice %arg14[%rem3A_154, %dma_wait3A_205, %dma_wait3A_207] : memref<3x8x128xf32, #tpu.memory_space<vmem>> -> memref<1x1x128xf32, #tpu.memory_space<vmem>>
    %dma_wait3A_209 = tpu.memref_squeeze %dma_wait3A_208 : memref<1x1x128xf32, #tpu.memory_space<vmem>> -> memref<128xf32, #tpu.memory_space<vmem>>
    %dma_wait3A_210 = arith.constant 0 : i32
    %dma_wait3A_211 = tpu.memref_slice %arg13[%rem3A_154, %dma_wait3A_206, %dma_wait3A_210] : memref<3x8x128xi32, #tpu.memory_space<vmem>> -> memref<1x1x128xi32, #tpu.memory_space<vmem>>
    %dma_wait3A_212 = tpu.memref_squeeze %dma_wait3A_211 : memref<1x1x128xi32, #tpu.memory_space<vmem>> -> memref<128xi32, #tpu.memory_space<vmem>>
    %dma_wait3A_213 = arith.constant 0 : i32
    %dma_wait3A_214 = tpu.memref_slice %arg15[%dma_wait3A_213] : memref<100352xf32, #tpu.memory_space<vmem_shared>> -> memref<100352xf32, #tpu.memory_space<vmem_shared>>
    tpu.wait_indirect_dma semaphore(%arg17 : memref<!tpu.dma_semaphore, #tpu.memory_space<semaphore_mem>>) src(%dma_wait3A_209 : memref<128xf32, #tpu.memory_space<vmem>>) dst(%dma_wait3A_214 : memref<100352xf32, #tpu.memory_space<vmem_shared>>)
    %dma_wait3A_215 = arith.constant 6 : i32
    %dma_wait3A_216 = arith.constant 6 : i32
    %dma_wait3A_217 = arith.constant 0 : i32
    %dma_wait3A_218 = tpu.memref_slice %arg14[%rem3A_154, %dma_wait3A_215, %dma_wait3A_217] : memref<3x8x128xf32, #tpu.memory_space<vmem>> -> memref<1x1x128xf32, #tpu.memory_space<vmem>>
    %dma_wait3A_219 = tpu.memref_squeeze %dma_wait3A_218 : memref<1x1x128xf32, #tpu.memory_space<vmem>> -> memref<128xf32, #tpu.memory_space<vmem>>
    %dma_wait3A_220 = arith.constant 0 : i32
    %dma_wait3A_221 = tpu.memref_slice %arg13[%rem3A_154, %dma_wait3A_216, %dma_wait3A_220] : memref<3x8x128xi32, #tpu.memory_space<vmem>> -> memref<1x1x128xi32, #tpu.memory_space<vmem>>
    %dma_wait3A_222 = tpu.memref_squeeze %dma_wait3A_221 : memref<1x1x128xi32, #tpu.memory_space<vmem>> -> memref<128xi32, #tpu.memory_space<vmem>>
    %dma_wait3A_223 = arith.constant 0 : i32
    %dma_wait3A_224 = tpu.memref_slice %arg15[%dma_wait3A_223] : memref<100352xf32, #tpu.memory_space<vmem_shared>> -> memref<100352xf32, #tpu.memory_space<vmem_shared>>
    tpu.wait_indirect_dma semaphore(%arg17 : memref<!tpu.dma_semaphore, #tpu.memory_space<semaphore_mem>>) src(%dma_wait3A_219 : memref<128xf32, #tpu.memory_space<vmem>>) dst(%dma_wait3A_224 : memref<100352xf32, #tpu.memory_space<vmem_shared>>)
    %dma_wait3A_225 = arith.constant 7 : i32
    %dma_wait3A_226 = arith.constant 7 : i32
    %dma_wait3A_227 = arith.constant 0 : i32
    %dma_wait3A_228 = tpu.memref_slice %arg14[%rem3A_154, %dma_wait3A_225, %dma_wait3A_227] : memref<3x8x128xf32, #tpu.memory_space<vmem>> -> memref<1x1x128xf32, #tpu.memory_space<vmem>>
    %dma_wait3A_229 = tpu.memref_squeeze %dma_wait3A_228 : memref<1x1x128xf32, #tpu.memory_space<vmem>> -> memref<128xf32, #tpu.memory_space<vmem>>
    %dma_wait3A_230 = arith.constant 0 : i32
    %dma_wait3A_231 = tpu.memref_slice %arg13[%rem3A_154, %dma_wait3A_226, %dma_wait3A_230] : memref<3x8x128xi32, #tpu.memory_space<vmem>> -> memref<1x1x128xi32, #tpu.memory_space<vmem>>
    %dma_wait3A_232 = tpu.memref_squeeze %dma_wait3A_231 : memref<1x1x128xi32, #tpu.memory_space<vmem>> -> memref<128xi32, #tpu.memory_space<vmem>>
    %dma_wait3A_233 = arith.constant 0 : i32
    %dma_wait3A_234 = tpu.memref_slice %arg15[%dma_wait3A_233] : memref<100352xf32, #tpu.memory_space<vmem_shared>> -> memref<100352xf32, #tpu.memory_space<vmem_shared>>
    tpu.wait_indirect_dma semaphore(%arg17 : memref<!tpu.dma_semaphore, #tpu.memory_space<semaphore_mem>>) src(%dma_wait3A_229 : memref<128xf32, #tpu.memory_space<vmem>>) dst(%dma_wait3A_234 : memref<100352xf32, #tpu.memory_space<vmem_shared>>)
    %barrier3A_235 = arith.constant 0 : index
    tpu.barrier barrier_id(%barrier3A_235)
    %mul3A_236 = arith.constant 6272 : i32
    %mul3A_237 = arith.muli %arg1, %mul3A_236 : i32
    %mul3A_238 = arith.constant 6272 : i32
    %mul3A_239 = arith.muli %arg1, %mul3A_238 : i32
    "tpu.region"() ({
      %run_scoped3A = tpu.sem_alloc : memref<!tpu.dma_semaphore, #tpu.memory_space<semaphore_mem>>
      %dma_start3A_240 = tpu.memref_slice %arg7[%arg0, %mul3A_239] : memref<2x100352xf32, #tpu.memory_space<hbm>> -> memref<1x6272xf32, #tpu.memory_space<hbm>>
      %dma_start3A_241 = tpu.memref_squeeze %dma_start3A_240 : memref<1x6272xf32, #tpu.memory_space<hbm>> -> memref<6272xf32, #tpu.memory_space<hbm>>
      %dma_start3A_242 = tpu.memref_slice %arg15[%mul3A_237] : memref<100352xf32, #tpu.memory_space<vmem_shared>> -> memref<6272xf32, #tpu.memory_space<vmem_shared>>
      tpu.enqueue_dma source(%dma_start3A_242 : memref<6272xf32, #tpu.memory_space<vmem_shared>>) target(%dma_start3A_241 : memref<6272xf32, #tpu.memory_space<hbm>>) target_semaphore(%run_scoped3A : memref<!tpu.dma_semaphore, #tpu.memory_space<semaphore_mem>>)
      %dma_wait3A_243 = tpu.memref_slice %arg7[%arg0, %mul3A_239] : memref<2x100352xf32, #tpu.memory_space<hbm>> -> memref<1x6272xf32, #tpu.memory_space<hbm>>
      %dma_wait3A_244 = tpu.memref_squeeze %dma_wait3A_243 : memref<1x6272xf32, #tpu.memory_space<hbm>> -> memref<6272xf32, #tpu.memory_space<hbm>>
      %dma_wait3A_245 = tpu.memref_slice %arg15[%mul3A_237] : memref<100352xf32, #tpu.memory_space<vmem_shared>> -> memref<6272xf32, #tpu.memory_space<vmem_shared>>
      tpu.wait_dma2 semaphore(%run_scoped3A : memref<!tpu.dma_semaphore, #tpu.memory_space<semaphore_mem>>) src(%dma_wait3A_245 : memref<6272xf32, #tpu.memory_space<vmem_shared>>) dst(%dma_wait3A_244 : memref<6272xf32, #tpu.memory_space<hbm>>)
      tpu.yield
    }) : () -> ()
    return
  }
}

module attributes {stable_mosaic.version = 14 : i64} {
  func.func @_combine_body(%arg0: memref<2x100352xf32, #tpu.memory_space<vmem>>, %arg1: memref<100352xf32, #tpu.memory_space<vmem>>) attributes {dimension_semantics = [], scalar_prefetch = 0 : i64, scratch_operands = 0 : i64, tpu.core_type = #tpu.core_type<tc>} {
    %get3A = arith.constant 0 : index
    %get3A_0 = arith.constant 0 : index
    %get3A_1 = vector.load %arg0[%get3A, %get3A_0] : memref<2x100352xf32, #tpu.memory_space<vmem>>, vector<1x100352xf32>
    %get3A_2 = vector.shape_cast %get3A_1 : vector<1x100352xf32> to vector<100352xf32>
    %get3A_3 = arith.constant 1 : index
    %get3A_4 = arith.constant 0 : index
    %get3A_5 = vector.load %arg0[%get3A_3, %get3A_4] : memref<2x100352xf32, #tpu.memory_space<vmem>>, vector<1x100352xf32>
    %get3A_6 = vector.shape_cast %get3A_5 : vector<1x100352xf32> to vector<100352xf32>
    %add3A = arith.addf %get3A_2, %get3A_6 : vector<100352xf32>
    %mul3A = arith.constant 1.250000e-01 : f32
    %mul3A_7 = vector.broadcast %mul3A : f32 to vector<100352xf32>
    %mul3A_8 = arith.mulf %add3A, %mul3A_7 : vector<100352xf32>
    %swap3A = arith.constant 0 : index
    %swap3A_9 = vector.load %arg1[%swap3A] : memref<100352xf32, #tpu.memory_space<vmem>>, vector<100352xf32>
    tpu.vector_store %arg1[%swap3A], %mul3A_8 {strides = array<i32>} : memref<100352xf32, #tpu.memory_space<vmem>>, vector<100352xf32>,
    return
  }
}

</mosaic_0001>

<sc_bundles>
// kernel: kernel.4.cloned.1.call-start
scs
__scs_entry_jumppad:
0x0: {  	(pc) =	sbr.rel $0x88, $3  }
0x1: {  	(tag) =	ssettag $0x0;
	lr =	simm.s32 $0x1  }
0x2: {  	[smem:$0x3F9D] =	sst lr;
	_ =	strace $0xD0000000  }
0x3: {  	_ = 	snop  }
0x4: {  	_ = 	snop  }
0x5: {  	_ = 	snop  }
0x6: {  	_ = 	snop  }
0x7: {  	_ = 	snop  }
__scs_overlays_trampoline_lowered:
0x8: {  	[smem:$0x3FAC] =	sst s0  }
0x9: {  	[smem:$0x3FAD] =	sst s1  }
0xa: {  	[smem:$0x3FAE] =	sst s2  }
0xb: {  	[smem:$0x3FAF] =	sst s3  }
0xc: {  	[smem:$0x3FB0] =	sst s4  }
0xd: {  	[smem:$0x3FB1] =	sst s5  }
0xe: {  	[smem:$0x3FB2] =	sst s6  }
0xf: {  	[smem:$0x3FB3] =	sst s7  }
0x10: {  	[smem:$0x3FB4] =	sst s8  }
0x11: {  	[smem:$0x3FB5] =	sst s9;
	s0 =	simm.s32 @!p0 $0x0  }
0x12: {  	s1 =	sld [smem:$0x3F9B];
	s0 =	simm.s32 @p0 $0x1  }
0x13: {  	[smem:$0x3FB6] =	sst s0;
	s0 =	simm.s32 @!p1 $0x0  }
0x14: {  	s2 =	sld [smem:$0x3F9A];
	s0 =	simm.s32 @p1 $0x1  }
0x15: {  	[smem:$0x3FB7] =	sst s0;
	s0 =	simm.s32 @!p2 $0x0  }
0x16: {  	s3 =	sld [smem:$0x3FDB];
	s0 =	simm.s32 @p2 $0x1  }
0x17: {  	s4 =	simm.s32 $0x1BF5;
	[smem:$0x3FB9] =	sst s0  }
0x18: {  	s0 =	sld [smem:$0x3F9C];
	_ =	swait.ge [sflag:s4], $0x0  }
0x19: {  	s7 =	sld [smem:$0x3F9D]  }
0x1a: {  	s8 =	sadd.s32 $0xFFFFE003, lr  }
0x1b: {  	s9 =	sadd.s32 $0xFFFFFEF7, lr;
	s5 =	simm.s32 $0xFFFFFFFF;
	p2 =	slt.u32 s8, $0xFFFFF086  }
0x1c: {  	p1 =	slt.u32 s9, $0xF7A;
	s5 =	simm.s32 @!p2 $0x0  }
0x1d: {  	s5 =	simm.s32 @p1 $0x1;
	p0 =	seq.s32 s7, s2  }
0x1e: {  	s7 =	smul.u32 @!p0 $0xF7A, s2;
	p2 =	seq.s32 @!p0 s5, $0x0  }
0x1f: {  	s9 =	smul.u32 $0xF7A, s1;
	s8 =	simm.s32 @!p0 $0x1BF5;
	p2 =	por !p2, p0  }
0x20: {  	[sflag:s8] =	ssyncset.s32 @!p0 $0xFFFFF086;
	s6 =	sadd.s32 @!p0 s3, s7;
	s7 =	simm.s32 @!p0 $0x108  }
0x21: {  	s3 =	sadd.s32 s3, s9;
	s6 =	sadd.s32 @!p0 $0x88, s6;
	s7 =	simm.s32 @p2 $0x1082  }
0x22: {  	[simem:s7], [sflag:s8] =	dma.local @!p0 [hbm:s6], $0xF7A  }
0x23: {  	s9 =	sor.u32 $0xD0000000, s2;
	s6 =	simm.s32 $0x108;
	_ =	swait.ge @!p0 [sflag:s8], $0x0  }
0x24: {  	s3 =	sadd.s32 $0x88, s3;
	s6 =	simm.s32 @!p1 $0x1082;
	[sflag:s4] =	ssyncset.s32 $0xFFFFF086  }
0x25: {  	[simem:s6], [sflag:s4] =	dma.local [hbm:s3], $0xF7A  }
0x26: {  	[smem:$0x3F9D] =	sst s1;
	(tag) =	ssettag s2;
	_ =	strace s9  }
0x27: {  	s1 =	sld [smem:$0x3FAD]  }
0x28: {  	s2 =	sld [smem:$0x3FAE]  }
0x29: {  	s4 =	sld [smem:$0x3FB0]  }
0x2a: {  	p0 =	seq.s32 s5, $0x0;
	s5 =	sld [smem:$0x3FB1]  }
0x2b: {  	s6 =	sld [smem:$0x3FB2]  }
0x2c: {  	s7 =	sld [smem:$0x3FB3]  }
0x2d: {  	s3 =	simm.s32 $0x108;
	s8 =	sld [smem:$0x3FB4]  }
0x2e: {  	s3 =	simm.s32 @!p0 $0x1082;
	s9 =	sld [smem:$0x3FB5]  }
0x2f: {  	lr =	sadd.s32 s0, s3;
	s0 =	sld [smem:$0x3FAC]  }
0x30: {  	s3 =	sld [smem:$0x3FAF]  }
0x31: {  	[smem:$0x3FB8] =	sst s10  }
0x32: {  	s10 =	sld [smem:$0x3FB6];
	_ =	sdelay $0x3  }
0x33: {  	p0 =	seq.s32 s10, $0x1;
	s10 =	sld [smem:$0x3FB8];
	_ =	sdelay $0x3  }
0x34: {  	[smem:$0x3FB8] =	sst s10  }
0x35: {  	s10 =	sld [smem:$0x3FB7];
	_ =	sdelay $0x3  }
0x36: {  	p1 =	seq.s32 s10, $0x1;
	s10 =	sld [smem:$0x3FB8];
	_ =	sdelay $0x3  }
0x37: {  	[smem:$0x3FB8] =	sst s10  }
0x38: {  	s10 =	sld [smem:$0x3FB9]  }
0x39: {  	_ = 	snop;
	(pc) =	sbr.ind lr, $3  }
0x3a: {  	_ = 	snop  }
0x3b: {  	_ = 	snop  }
0x3c: {  	p2 =	seq.s32 s10, $0x1;
	s10 =	sld [smem:$0x3FB8]  }
0x3d: {  	_ =	shalt  }
0x3e: {  	_ =	shalt  }
0x3f: {  	_ =	shalt  }
0x40: {  	_ =	shalt  }
0x41: {  	_ =	shalt  }
0x42: {  	_ =	shalt  }
0x43: {  	_ =	shalt  }
0x44: {  	_ =	shalt  }
0x45: {  	_ =	shalt  }
0x46: {  	_ =	shalt  }
0x47: {  	_ =	shalt  }
0x48: {  	_ =	shalt  }
0x49: {  	_ =	shalt  }
0x4a: {  	_ =	shalt  }
0x4b: {  	_ =	shalt  }
0x4c: {  	_ =	shalt  }
0x4d: {  	_ =	shalt  }
0x4e: {  	_ =	shalt  }
0x4f: {  	_ =	shalt  }
0x50: {  	_ =	shalt  }
0x51: {  	_ =	shalt  }
0x52: {  	_ =	shalt  }
0x53: {  	_ =	shalt  }
0x54: {  	_ =	shalt  }
0x55: {  	_ =	shalt  }
0x56: {  	_ =	shalt  }
0x57: {  	_ =	shalt  }
0x58: {  	_ =	shalt  }
0x59: {  	_ =	shalt  }
0x5a: {  	_ =	shalt  }
0x5b: {  	_ =	shalt  }
0x5c: {  	_ =	shalt  }
0x5d: {  	_ =	shalt  }
0x5e: {  	_ =	shalt  }
0x5f: {  	_ =	shalt  }
0x60: {  	_ =	shalt  }
0x61: {  	_ =	shalt  }
0x62: {  	_ =	shalt  }
0x63: {  	_ =	shalt  }
0x64: {  	_ =	shalt  }
0x65: {  	_ =	shalt  }
0x66: {  	_ =	shalt  }
0x67: {  	_ =	shalt  }
0x68: {  	_ =	shalt  }
0x69: {  	_ =	shalt  }
0x6a: {  	_ =	shalt  }
0x6b: {  	_ =	shalt  }
0x6c: {  	_ =	shalt  }
0x6d: {  	_ =	shalt  }
0x6e: {  	_ =	shalt  }
0x6f: {  	_ =	shalt  }
0x70: {  	_ =	shalt  }
0x71: {  	_ =	shalt  }
0x72: {  	_ =	shalt  }
0x73: {  	_ =	shalt  }
0x74: {  	_ =	shalt  }
0x75: {  	_ =	shalt  }
0x76: {  	_ =	shalt  }
0x77: {  	_ =	shalt  }
0x78: {  	_ =	shalt  }
0x79: {  	_ =	shalt  }
0x7a: {  	_ =	shalt  }
0x7b: {  	_ =	shalt  }
0x7c: {  	_ =	shalt  }
0x7d: {  	_ =	shalt  }
0x7e: {  	_ =	shalt  }
0x7f: {  	_ =	shalt  }
0x80: {  	_ =	shalt  }
0x81: {  	_ =	shalt  }
0x82: {  	_ =	shalt  }
0x83: {  	_ =	shalt  }
0x84: {  	_ =	shalt  }
0x85: {  	_ =	shalt  }
0x86: {  	_ =	shalt  }
0x87: {  	_ =	shalt  }
.Lfunc_end0:
.L_simem_size_0:
called_computation_lowered:
.L_overlay_start_0:
0x88: {  	s2 =	sld [smem:$0x3FD9]  }
0x89: {  	s3 =	sld [smem:$0x3FFE];
	_ =	sdelay $0x1  }
0x8a: {  	s1 =	srdreg.scid  }
0x8b: {  	s0 =	sand.u32 $0x1, s1  }
0x8c: {  	s17 =	sshll.u32 s0, $0xA;
	s2 =	sadd.s32 s3, s2  }
0x8d: {  	s2 =	sadd.s32 s2, s17  }
0x8e: {  	[smem:$0x3FC4] =	sst s2  }
0x8f: {  	_ = 	snop  }
0x90: {  	s2 =	sld [smem:$0x3FC9]  }
0x91: {  	s18 =	sld [smem:$0x3FC8]  }
0x92: {  	s4 =	sld [smem:$0x3FC6]  }
0x93: {  	s5 =	sld [smem:$0x3FD0];
	(tm) =	ssettm $0x1  }
0x94: {  	s6 =	sld [smem:$0x3FFB];
	_ =	sdelay $0x3  }
0x95: {  	_ =	strace s6  }
0x96: {  	s6 =	sld [smem:$0x3FFC];
	_ =	sdelay $0x3  }
0x97: {  	_ =	strace s6  }
0x98: {  	s6 =	sld [smem:$0x3FFD];
	_ =	sdelay $0x3  }
0x99: {  	_ =	strace s6  }
0x9a: {  	_ =	strace $0x8FFFFFFF  }
0x9b: {  	s19 =	sld [smem:$0x3FDB];
	_ =	sdelay $0x1  }
0x9c: {  	s7 =	simm.s32 $_scs_section_size  }
0x9d: {  	s8 =	simm.s32 $_size__tile_overlayer_lowered;
	s9 =	simm.s32 $_tile_overlayer_lowered  }
0x9e: {  	s22 =	simm.s32 $0x1BFF;
	s21 =	sshll.u32 s9, $0x1;
	s6 =	sadd.s32 s7, s19  }
0x9f: {  	s10 =	simm.s32 $0x0;
	s20 =	sshll.u32 s8, $0x1;
	s8 =	sadd.s32 s21, s6  }
0xa0: {  	[timem:s10], [sflag:s22] =	dma.local [hbm:s8], s20  }
0xa1: {  	_ =	swait.ge [sflag:s22], s20  }
0xa2: {  	s7 =	ssub.s32 $0x0, s20;
	[sflag:s22] =	ssyncset.done $0x0  }
0xa3: {  	[sflag:s22] =	ssyncadd.s32 s7;
	_ =	sdelay $0x1  }
0xa4: {  	s23 =	simm.s32 $0x1B8B  }
0xa5: {  	_ =	swait.ge [sflag:s23], $0x1  }
0xa6: {  	[sflag:s23] =	ssyncset.done $0x0  }
0xa7: {  	s25 =	simm.s32 $0x1B8E;
	s24 =	sld [smem:$0x3FFE];
	[sflag:s23] =	ssyncadd.s32 $0xFFFFFFFF  }
0xa8: {  	s26 =	simm.s32 $execute0_lowered;
	[smem:$0x3FD2] =	sst s25  }
0xa9: {  	s8 =	sshll.u32 s26, $0x1;
	_ =	strace $0x80000046;
	[dreg:$0x1] =	wrdreg $0xFFFFFFFF  }
0xaa: {  	s28 =	simm.s32 $_size_execute0_lowered;
	s6 =	sadd.s32 s6, s8;
	[dreg:$0x0] =	wrdreg $0x0  }
0xab: {  	s8 =	sshll.u32 s28, $0x1;
	[dreg:$0x2] =	wrdreg s6  }
0xac: {  	[dreg:$0x3] =	wrdreg s8  }
0xad: {  	[dreg:$0x4] =	wrdreg $0xC0  }
0xae: {  	_ =	task [dreg:s10], $0x5FFFF  }
0xaf: {  	[dreg:$0x1] =	wrdreg $0xFFFFFFFF  }
0xb0: {  	[dreg:$0x0] =	wrdreg $0x60  }
0xb1: {  	[dreg:$0x2] =	wrdreg s18  }
0xb2: {  	[dreg:$0x3] =	wrdreg s2  }
0xb3: {  	[dreg:$0x4] =	wrdreg s24  }
0xb4: {  	[dreg:$0x5] =	wrdreg s4  }
0xb5: {  	[dreg:$0x6] =	wrdreg s5  }
0xb6: {  	[dreg:$0x7] =	wrdreg $0x1D7000  }
0xb7: {  	[dreg:$0x8] =	wrdreg $0x9  }
0xb8: {  	_ =	task.clear_ibuf [dreg:s10], $0x9FFFF;
	_ =	strace $0x90000046  }
0xb9: {  	s29 =	simm.s32 $0x9;
	_ =	strace $0x80000048  }
0xba: {  	_ =	swait.ge [sflag:s29], $0x1  }
0xbb: {  	[sflag:s29] =	ssyncadd.s32 $0xFFFFFFFF  }
0xbc: {  	_ =	strace $0x90000048  }
0xbd: {  	_ =	sfence  }
0xbe: {  	s30 =	sld [smem:$0x0];
	_ =	sdelay $0x2  }
0xbf: {  	s31 =	sshll.u32 s1, $0xD;
	s1 =	sshrl.u32 s1, $0x2  }
0xc0: {  	s3 =	sand.u32 $0x4000, s31;
	s1 =	sadd.s32 s1, s30  }
0xc1: {  	s0 =	sor.u32 s3, s0;
	s1 =	sshll.u32 s1, $0x11  }
0xc2: {  	s0 =	sor.u32 s1, s0  }
0xc3: {  	s0 =	sadd.s32 $0x8F2B, s0  }
0xc4: {  	[sflag:s0] =	ssyncadd.remote.s32 $0x1  }
0xc5: {  	_ =	sfence.sel $0xFFFF  }
0xc6: {  	[dreg:$0x0] =	wrdreg $0xFFFFFFFF;
	(pc) =	sbr.abs _section_cstart, $3  }
0xc7: {  	[dreg:$0x1] =	wrdreg $0xFFFFFFFF  }
0xc8: {  	_ =	task.clear_ibuf [dreg:s10], $0x2FFFF;
	_ =	strace $0x9FFFFFFF  }
0xc9: {  	(tm) =	ssettm $0x7FFFFFFF  }
tec
execute0_lowered:
.L_overlay_start_1:
0x0: {  	(tag) =	ssettag $0x1  }
0x1: {  	s1 =	rddreg [dreg:$0x0]  }
0x2: {  	s2 =	rddreg [dreg:$0x1]  }
0x3: {  	s0 =	rddreg [dreg:$0x2]  }
0x4: {  	s6 =	rddreg [dreg:$0x5]  }
0x5: {  	s7 =	simm.s32 $0x0;
	s3 =	srdreg.scid;
	s10 =	stileid.u32  }
0x6: {  	s19 =	simm.s32 $0x3;
	s29 =	simm.s32 $0x0;
	[smem:$0x7FF] =	sst s7  }
0x7: {  	s3 =	sand.u32 $0x1, s3;
	s4 =	smul.u32 $0x3100, s10;
	s8 =	sadd.s32 $0x200, s0  }
0x8: {  	s9 =	smul.u32 $0x6200, s10;
	s23 =	sshll.u32 s10, $0x1;
	s25 =	sshll.u32 s10, $0x6  }
0x9: {  	s11 =	sadd.s32 $0x10, s1;
	_ =	strace $0x80000047;
	s5 =	sshll.u32 s3, $0x7  }
0xa: {  	[dreg:$0x7] =	wrdreg s8;
	s20 =	ssub.s32 $0x2, s3;
	s3 =	sor.u32 s3, s23  }
0xb: {  	s23 =	simm.s32 $0x80;
	s4 =	sor.u32 s5, s4;
	s21 =	sshrl.u32 s20, $0x1  }
0xc: {  	s24 =	sshrl.u32 s9, $0x2;
	s9 =	sor.u32 $0x1C03, s25;
	s26 =	ssub.s32 $0x1869, s3  }
0xd: {  	s28 =	sshll.u32 s3, $0x8;
	s30 =	sshll.u32 s3, $0x7;
	s15 =	sshll.u32 s3, $0xA  }
0xe: {  	s25 =	simm.s32 $0x2;
	s4 =	sshrl.u32 s4, $0x3;
	s22 =	ssub.s32 s20, s21  }
0xf: {  	s5 =	sadd.s32 s24, s6;
	s10 =	sshrl.u32 s26, $0x5;
	s12 =	sadd.s32 s1, s28  }
0x10: {  	s13 =	sadd.s32 s28, s11;
	s14 =	sadd.s32 s2, s30;
	s20 =	simm.s32 $0x18700  }
0x11: {  	s21 =	simm.s32 $0x1;
	s0 =	sadd.s32 s4, s0;
	s31 =	smax.u32 s22, $0x1  }
0x12: {  	s18 =	sshrl.u32 s5, $0x3;
	s0 =	sadd.s32 $0x3400, s0;
	[dreg:$0x9] =	wrdreg s31  }
0x13: {  	s22 =	sadd.s32 $0x20, s12;
	s24 =	sadd.s32 $0x40, s12;
	[dreg:$0x8] =	wrdreg s0  }
.LBB2_1:
0x14: {  	s0 =	rddreg [dreg:$0x4]  }
0x15: {  	[spmem:s18], [sflag:s9] =	dma.local [hbm:s0], $0x310  }
0x16: {  	_ =	swait.ge [sflag:s19], $0x310  }
0x17: {  	[sflag:s19] =	ssyncset.done $0x0  }
0x18: {  	s5 =	rddreg [dreg:$0x7];
	[sflag:s19] =	ssyncadd.s32 $0xFFFFFCF0  }
0x19: {  	[tilespmem:s7], [sflag:$0x3] =	stream.linear.gather [hbm4b:s5+s7], $0x18700, $0x38;
	[tilespmem:$0x1EF80] =	vst v63  }
0x1a: {  	_ =	swait.ge [sflag:s19], $0x18700  }
0x1b: {  	[sflag:s19] =	ssyncset.done $0x0  }
0x1c: {  	[sflag:s19] =	ssyncadd.s32 $0xFFFE7900  }
0x1d: {  	s8 =	rddreg [dreg:$0x3]  }
0x1e: {  	[tilespmem:s20], [sflag:$0x3] =	stream.linear.gather [hbm4b:s8+s7], $0x2000, $0x38;
	[tilespmem:$0x1EF80] =	vst v63  }
0x1f: {  	_ =	swait.ge [sflag:s19], $0x2000  }
0x20: {  	[sflag:s19] =	ssyncset.done $0x0  }
0x21: {  	[sflag:s19] =	ssyncadd.s32 $0xFFFFE000  }
0x22: {  	s16 =	simm.s32 $0x1A700;
	[bflag:$0x0] =	sbarrier.arrive $0xFFFF  }
0x23: {  	[tilespmem:s16], [sflag:$0x1] =	stream.linear.gather [hbm4b:s12+s7], $0x80, $0x38;
	[tilespmem:$0x1EF80] =	vst v63  }
0x24: {  	s17 =	simm.s32 $0x1A800  }
0x25: {  	[tilespmem:s17], [sflag:$0x1] =	stream.linear.gather [hbm4b:s22+s7], $0x80, $0x38;
	[tilespmem:$0x1EF80] =	vst v63  }
0x26: {  	s26 =	simm.s32 $0x1A900  }
0x27: {  	[tilespmem:s26], [sflag:$0x1] =	stream.linear.gather [hbm4b:s24+s7], $0x80, $0x38;
	[tilespmem:$0x1EF80] =	vst v63  }
0x28: {  	s28 =	sadd.s32 $0x60, s12;
	s3 =	simm.s32 $0x1AA00  }
0x29: {  	[tilespmem:s3], [sflag:$0x1] =	stream.linear.gather [hbm4b:s28+s7], $0x80, $0x38;
	[tilespmem:$0x1EF80] =	vst v63  }
0x2a: {  	s4 =	simm.s32 $0x1AB00;
	s3 =	sadd.s32 $0x80, s12  }
0x2b: {  	[tilespmem:s4], [sflag:$0x1] =	stream.linear.gather [hbm4b:s3+s7], $0x80, $0x38;
	[tilespmem:$0x1EF80] =	vst v63  }
0x2c: {  	s5 =	sadd.s32 $0xA0, s12;
	s8 =	simm.s32 $0x1AC00  }
0x2d: {  	[tilespmem:s8], [sflag:$0x1] =	stream.linear.gather [hbm4b:s5+s7], $0x80, $0x38;
	[tilespmem:$0x1EF80] =	vst v63  }
0x2e: {  	s16 =	sadd.s32 $0xC0, s12;
	s17 =	simm.s32 $0x1AD00  }
0x2f: {  	[tilespmem:s17], [sflag:$0x1] =	stream.linear.gather [hbm4b:s16+s7], $0x80, $0x38;
	[tilespmem:$0x1EF80] =	vst v63  }
0x30: {  	s26 =	sadd.s32 $0xE0, s12;
	s28 =	simm.s32 $0x1AE00  }
0x31: {  	[tilespmem:s28], [sflag:$0x1] =	stream.linear.gather [hbm4b:s26+s7], $0x80, $0x38;
	[tilespmem:$0x1EF80] =	vst v63  }
0x32: {  	s4 =	simm.s32 $0x1AF00  }
0x33: {  	[tilespmem:s4], [sflag:$0x1] =	stream.linear.gather [hbm4b:s13+s7], $0x80, $0x38;
	[tilespmem:$0x1EF80] =	vst v63  }
0x34: {  	s5 =	sadd.s32 $0x20, s13;
	s8 =	simm.s32 $0x1B000  }
0x35: {  	[tilespmem:s8], [sflag:$0x1] =	stream.linear.gather [hbm4b:s5+s7], $0x80, $0x38;
	[tilespmem:$0x1EF80] =	vst v63  }
0x36: {  	s16 =	sadd.s32 $0x40, s13;
	s17 =	simm.s32 $0x1B100  }
0x37: {  	[tilespmem:s17], [sflag:$0x1] =	stream.linear.gather [hbm4b:s16+s7], $0x80, $0x38;
	[tilespmem:$0x1EF80] =	vst v63  }
0x38: {  	s26 =	sadd.s32 $0x60, s13;
	s28 =	simm.s32 $0x1B200  }
0x39: {  	[tilespmem:s28], [sflag:$0x1] =	stream.linear.gather [hbm4b:s26+s7], $0x80, $0x38;
	[tilespmem:$0x1EF80] =	vst v63  }
0x3a: {  	s3 =	sadd.s32 $0x80, s13;
	s4 =	simm.s32 $0x1B300  }
0x3b: {  	[tilespmem:s4], [sflag:$0x1] =	stream.linear.gather [hbm4b:s3+s7], $0x80, $0x38;
	[tilespmem:$0x1EF80] =	vst v63  }
0x3c: {  	s5 =	sadd.s32 $0xA0, s13;
	s8 =	simm.s32 $0x1B400  }
0x3d: {  	[tilespmem:s8], [sflag:$0x1] =	stream.linear.gather [hbm4b:s5+s7], $0x80, $0x38;
	[tilespmem:$0x1EF80] =	vst v63  }
0x3e: {  	s16 =	sadd.s32 $0xC0, s13;
	s17 =	simm.s32 $0x1B500  }
0x3f: {  	[tilespmem:s17], [sflag:$0x1] =	stream.linear.gather [hbm4b:s16+s7], $0x80, $0x38;
	[tilespmem:$0x1EF80] =	vst v63  }
0x40: {  	s26 =	sadd.s32 $0xE0, s13;
	s28 =	simm.s32 $0x1B600  }
0x41: {  	[tilespmem:s28], [sflag:$0x1] =	stream.linear.gather [hbm4b:s26+s7], $0x80, $0x38;
	[tilespmem:$0x1EF80] =	vst v63  }
0x42: {  	s4 =	simm.s32 $0x1B700  }
0x43: {  	[tilespmem:s4], [sflag:$0x1] =	stream.linear.gather [hbm4b:s14+s7], $0x80, $0x38;
	[tilespmem:$0x1EF80] =	vst v63  }
0x44: {  	s5 =	sadd.s32 $0x10, s14;
	s8 =	simm.s32 $0x1B800  }
0x45: {  	[tilespmem:s8], [sflag:$0x1] =	stream.linear.gather [hbm4b:s5+s7], $0x80, $0x38;
	[tilespmem:$0x1EF80] =	vst v63  }
0x46: {  	s16 =	sadd.s32 $0x20, s14;
	s17 =	simm.s32 $0x1B900  }
0x47: {  	[tilespmem:s17], [sflag:$0x1] =	stream.linear.gather [hbm4b:s16+s7], $0x80, $0x38;
	[tilespmem:$0x1EF80] =	vst v63  }
0x48: {  	s26 =	sadd.s32 $0x30, s14;
	s28 =	simm.s32 $0x1BA00  }
0x49: {  	[tilespmem:s28], [sflag:$0x1] =	stream.linear.gather [hbm4b:s26+s7], $0x80, $0x38;
	[tilespmem:$0x1EF80] =	vst v63  }
0x4a: {  	s30 =	simm.s32 $0x1CB00;
	s3 =	sadd.s32 $0x40, s14;
	s4 =	simm.s32 $0x1BB00  }
0x4b: {  	[tilespmem:s4], [sflag:$0x1] =	stream.linear.gather [hbm4b:s3+s7], $0x80, $0x38;
	[tilespmem:$0x1EF80] =	vst v63  }
0x4c: {  	s31 =	simm.s32 $0x1BF00;
	s5 =	sadd.s32 $0x50, s14;
	s8 =	simm.s32 $0x1BC00  }
0x4d: {  	[tilespmem:s8], [sflag:$0x1] =	stream.linear.gather [hbm4b:s5+s7], $0x80, $0x38;
	[tilespmem:$0x1EF80] =	vst v63  }
0x4e: {  	p0 =	por $0x0, $0x0;
	s16 =	sadd.s32 $0x60, s14;
	s17 =	simm.s32 $0x1BD00  }
0x4f: {  	[tilespmem:s17], [sflag:$0x1] =	stream.linear.gather [hbm4b:s16+s7], $0x80, $0x38;
	[tilespmem:$0x1EF80] =	vst v63  }
0x50: {  	s0 =	simm.s32 $0x0;
	s26 =	sadd.s32 $0x70, s14;
	s28 =	simm.s32 $0x1BE00  }
0x51: {  	[tilespmem:s28], [sflag:$0x1] =	stream.linear.gather [hbm4b:s26+s7], $0x80, $0x38;
	[tilespmem:$0x1EF80] =	vst v63  }
.LBB2_2:
0x52: {  	p1 =	slt.u32 s0, $0x2  }
0x53: {  	s3 =	simm.s32 @!p1 $0x2  }
0x54: {  	_ =	swait.ge @!p1 [sflag:s3], $0x80  }
0x55: {  	[sflag:s3] =	ssyncset.done @!p1 $0x0  }
0x56: {  	[sflag:s3] =	ssyncadd.s32 @!p1 $0xFFFFFF80  }
0x57: {  	_ =	swait.ge @!p1 [sflag:s3], $0x80  }
0x58: {  	[sflag:s3] =	ssyncset.done @!p1 $0x0  }
0x59: {  	[sflag:s3] =	ssyncadd.s32 @!p1 $0xFFFFFF80  }
0x5a: {  	_ =	swait.ge @!p1 [sflag:s3], $0x80  }
0x5b: {  	[sflag:s3] =	ssyncset.done @!p1 $0x0  }
0x5c: {  	[sflag:s3] =	ssyncadd.s32 @!p1 $0xFFFFFF80  }
0x5d: {  	_ =	swait.ge @!p1 [sflag:s3], $0x80  }
0x5e: {  	[sflag:s3] =	ssyncset.done @!p1 $0x0  }
0x5f: {  	[sflag:s3] =	ssyncadd.s32 @!p1 $0xFFFFFF80  }
0x60: {  	_ =	swait.ge @!p1 [sflag:s3], $0x80  }
0x61: {  	[sflag:s3] =	ssyncset.done @!p1 $0x0  }
0x62: {  	[sflag:s3] =	ssyncadd.s32 @!p1 $0xFFFFFF80  }
0x63: {  	_ =	swait.ge @!p1 [sflag:s3], $0x80  }
0x64: {  	[sflag:s3] =	ssyncset.done @!p1 $0x0  }
0x65: {  	[sflag:s3] =	ssyncadd.s32 @!p1 $0xFFFFFF80  }
0x66: {  	p2 =	sge.u32 s0, s10;
	_ =	swait.ge @!p1 [sflag:s3], $0x80  }
.Ltmp0:
0x67: {  	[sflag:s3] =	ssyncset.done @!p1 $0x0;
	(pc) =	sbr.rel @p2 .LBB2_4-.Ltmp0, $4  }
0x68: {  	[sflag:s3] =	ssyncadd.s32 @!p1 $0xFFFFFF80  }
0x69: {  	_ =	swait.ge @!p1 [sflag:s3], $0x80  }
0x6a: {  	[sflag:s3] =	ssyncset.done @!p1 $0x0  }
0x6b: {  	s5 =	sadd.s32 $0x1, s0;
	[sflag:s3] =	ssyncadd.s32 @!p1 $0xFFFFFF80  }
0x6c: {  	s3 =	sshll.u32 s5, $0xF  }
0x6d: {  	s4 =	sand.u32 $0x1, s0;
	s8 =	sor.u32 s15, s3  }
0x6e: {  	s17 =	sshll.u32 s4, $0x7;
	s26 =	sshrl.u32 s8, $0x2  }
0x6f: {  	s3 =	sxor.u32 $0x80, s17;
	s4 =	sand.u32 $0x1FFFFF00, s26  }
0x70: {  	s16 =	sor.u32 $0x1A700, s3;
	s17 =	sadd.s32 s1, s4  }
0x71: {  	[tilespmem:s16], [sflag:$0x1] =	stream.linear.gather [hbm4b:s17+s7], $0x80, $0x38;
	[tilespmem:$0x1EF80] =	vst v63  }
0x72: {  	s26 =	sor.u32 $0x1A800, s3;
	s28 =	sadd.s32 $0x20, s17  }
0x73: {  	[tilespmem:s26], [sflag:$0x1] =	stream.linear.gather [hbm4b:s28+s7], $0x80, $0x38;
	[tilespmem:$0x1EF80] =	vst v63  }
0x74: {  	s26 =	sadd.s32 $0x40, s17;
	s28 =	sor.u32 $0x1A900, s3  }
0x75: {  	[tilespmem:s28], [sflag:$0x1] =	stream.linear.gather [hbm4b:s26+s7], $0x80, $0x38;
	[tilespmem:$0x1EF80] =	vst v63  }
0x76: {  	s26 =	sadd.s32 $0x60, s17;
	s28 =	sor.u32 $0x1AA00, s3  }
0x77: {  	[tilespmem:s28], [sflag:$0x1] =	stream.linear.gather [hbm4b:s26+s7], $0x80, $0x38;
	[tilespmem:$0x1EF80] =	vst v63  }
0x78: {  	s26 =	sadd.s32 $0x80, s17;
	s28 =	sor.u32 $0x1AB00, s3  }
0x79: {  	[tilespmem:s28], [sflag:$0x1] =	stream.linear.gather [hbm4b:s26+s7], $0x80, $0x38;
	[tilespmem:$0x1EF80] =	vst v63  }
0x7a: {  	s26 =	sadd.s32 $0xA0, s17;
	s28 =	sor.u32 $0x1AC00, s3  }
0x7b: {  	[tilespmem:s28], [sflag:$0x1] =	stream.linear.gather [hbm4b:s26+s7], $0x80, $0x38;
	[tilespmem:$0x1EF80] =	vst v63  }
0x7c: {  	s26 =	sadd.s32 $0xC0, s17;
	s28 =	sor.u32 $0x1AD00, s3  }
0x7d: {  	[tilespmem:s28], [sflag:$0x1] =	stream.linear.gather [hbm4b:s26+s7], $0x80, $0x38;
	[tilespmem:$0x1EF80] =	vst v63  }
0x7e: {  	s26 =	sadd.s32 $0xE0, s17;
	s28 =	sor.u32 $0x1AE00, s3  }
0x7f: {  	[tilespmem:s28], [sflag:$0x1] =	stream.linear.gather [hbm4b:s26+s7], $0x80, $0x38;
	[tilespmem:$0x1EF80] =	vst v63  }
0x80: {  	s4 =	sadd.s32 s4, s11;
	s17 =	sor.u32 $0x1AF00, s3  }
0x81: {  	[tilespmem:s17], [sflag:$0x1] =	stream.linear.gather [hbm4b:s4+s7], $0x80, $0x38;
	[tilespmem:$0x1EF80] =	vst v63  }
0x82: {  	s26 =	sadd.s32 $0x20, s4;
	s28 =	sor.u32 $0x1B000, s3  }
0x83: {  	[tilespmem:s28], [sflag:$0x1] =	stream.linear.gather [hbm4b:s26+s7], $0x80, $0x38;
	[tilespmem:$0x1EF80] =	vst v63  }
0x84: {  	s26 =	sadd.s32 $0x40, s4;
	s28 =	sor.u32 $0x1B100, s3  }
0x85: {  	[tilespmem:s28], [sflag:$0x1] =	stream.linear.gather [hbm4b:s26+s7], $0x80, $0x38;
	[tilespmem:$0x1EF80] =	vst v63  }
0x86: {  	s26 =	sadd.s32 $0x60, s4;
	s28 =	sor.u32 $0x1B200, s3  }
0x87: {  	[tilespmem:s28], [sflag:$0x1] =	stream.linear.gather [hbm4b:s26+s7], $0x80, $0x38;
	[tilespmem:$0x1EF80] =	vst v63  }
0x88: {  	s26 =	sadd.s32 $0x80, s4;
	s28 =	sor.u32 $0x1B300, s3  }
0x89: {  	[tilespmem:s28], [sflag:$0x1] =	stream.linear.gather [hbm4b:s26+s7], $0x80, $0x38;
	[tilespmem:$0x1EF80] =	vst v63  }
0x8a: {  	s26 =	sadd.s32 $0xA0, s4;
	s28 =	sor.u32 $0x1B400, s3  }
0x8b: {  	[tilespmem:s28], [sflag:$0x1] =	stream.linear.gather [hbm4b:s26+s7], $0x80, $0x38;
	[tilespmem:$0x1EF80] =	vst v63  }
0x8c: {  	s26 =	sadd.s32 $0xC0, s4;
	s28 =	sor.u32 $0x1B500, s3  }
0x8d: {  	[tilespmem:s28], [sflag:$0x1] =	stream.linear.gather [hbm4b:s26+s7], $0x80, $0x38;
	[tilespmem:$0x1EF80] =	vst v63  }
0x8e: {  	s17 =	sor.u32 $0x1B600, s3;
	s4 =	sadd.s32 $0xE0, s4;
	s26 =	sshrl.u32 s8, $0x3  }
0x8f: {  	[tilespmem:s17], [sflag:$0x1] =	stream.linear.gather [hbm4b:s4+s7], $0x80, $0x38;
	[tilespmem:$0x1EF80] =	vst v63  }
0x90: {  	s28 =	sor.u32 $0x1B700, s3;
	s4 =	sadd.s32 s2, s26  }
0x91: {  	[tilespmem:s28], [sflag:$0x1] =	stream.linear.gather [hbm4b:s4+s7], $0x80, $0x38;
	[tilespmem:$0x1EF80] =	vst v63  }
0x92: {  	s17 =	sor.u32 $0x1B800, s3;
	s16 =	sadd.s32 $0x10, s4  }
0x93: {  	[tilespmem:s17], [sflag:$0x1] =	stream.linear.gather [hbm4b:s16+s7], $0x80, $0x38;
	[tilespmem:$0x1EF80] =	vst v63  }
0x94: {  	s26 =	sadd.s32 $0x20, s4;
	s28 =	sor.u32 $0x1B900, s3  }
0x95: {  	[tilespmem:s28], [sflag:$0x1] =	stream.linear.gather [hbm4b:s26+s7], $0x80, $0x38;
	[tilespmem:$0x1EF80] =	vst v63  }
0x96: {  	s16 =	sadd.s32 $0x30, s4;
	s17 =	sor.u32 $0x1BA00, s3  }
0x97: {  	[tilespmem:s17], [sflag:$0x1] =	stream.linear.gather [hbm4b:s16+s7], $0x80, $0x38;
	[tilespmem:$0x1EF80] =	vst v63  }
0x98: {  	s26 =	sadd.s32 $0x40, s4;
	s28 =	sor.u32 $0x1BB00, s3  }
0x99: {  	[tilespmem:s28], [sflag:$0x1] =	stream.linear.gather [hbm4b:s26+s7], $0x80, $0x38;
	[tilespmem:$0x1EF80] =	vst v63  }
0x9a: {  	s16 =	sadd.s32 $0x50, s4;
	s17 =	sor.u32 $0x1BC00, s3  }
0x9b: {  	[tilespmem:s17], [sflag:$0x1] =	stream.linear.gather [hbm4b:s16+s7], $0x80, $0x38;
	[tilespmem:$0x1EF80] =	vst v63  }
0x9c: {  	s26 =	sadd.s32 $0x60, s4;
	s28 =	sor.u32 $0x1BD00, s3  }
0x9d: {  	[tilespmem:s28], [sflag:$0x1] =	stream.linear.gather [hbm4b:s26+s7], $0x80, $0x38;
	[tilespmem:$0x1EF80] =	vst v63  }
0x9e: {  	s4 =	sadd.s32 $0x70, s4;
	s3 =	sor.u32 $0x1BE00, s3  }
0x9f: {  	[tilespmem:s3], [sflag:$0x1] =	stream.linear.gather [hbm4b:s4+s7], $0x80, $0x38;
	[tilespmem:$0x1EF80] =	vst v63  }
.LBB2_4:
0xa0: {  	_ =	swait.ge [sflag:s21], $0x400  }
0xa1: {  	[sflag:s21] =	ssyncset.done $0x0  }
0xa2: {  	[sflag:s21] =	ssyncadd.s32 $0xFFFFFC00  }
0xa3: {  	_ =	swait.ge [sflag:s21], $0x400  }
0xa4: {  	[sflag:s21] =	ssyncset.done $0x0  }
0xa5: {  	s3 =	simm.s32 $0x1;
	[sflag:s21] =	ssyncadd.s32 $0xFFFFFC00  }
0xa6: {  	s3 =	simm.s32 @!p0 $0x0;
	_ =	swait.ge [sflag:s21], $0x400  }
0xa7: {  	s4 =	sshll.u32 s3, $0x7;
	[sflag:s21] =	ssyncset.done $0x0  }
0xa8: {  	s17 =	sor.u32 $0x1A740, s4;
	[sflag:s21] =	ssyncadd.s32 $0xFFFFFC00  }
0xa9: {  	s3 =	sor.u32 $0x1AF40, s4;
	v1 =	vld [tilespmem:s17+$0x30]  }
0xaa: {  	v0 =	vld [tilespmem:s3+$0x30]  }
0xab: {  	v2 =	vld [tilespmem:s3+$0xFFFFFFC0]  }
0xac: {  	v3 =	vld [tilespmem:s17+$0xFFFFFFD0]  }
0xad: {  	v4 =	vld [tilespmem:s3+$0xFFFFFFD0]  }
0xae: {  	v5 =	vld [tilespmem:s17+$0xFFFFFFE0]  }
0xaf: {  	v6 =	vld [tilespmem:s3+$0xFFFFFFE0]  }
0xb0: {  	v7 =	vld [tilespmem:s17+$0xFFFFFFF0]  }
0xb1: {  	v10 =	vld [tilespmem:s3+$0xFFFFFFF0]  }
0xb2: {  	v11 =	vld [tilespmem:s17+$0x0]  }
0xb3: {  	v12 =	vld [tilespmem:s3+$0x0]  }
0xb4: {  	v13 =	vld [tilespmem:s17+$0x10]  }
0xb5: {  	v14 =	vld [tilespmem:s3+$0x10]  }
0xb6: {  	v16 =	vld [tilespmem:s3+$0x20]  }
0xb7: {  	s4 =	sor.u32 $0x1B740, s4;
	v46 =	vld [tilespmem:s17+$0xFFFFFFC0]  }
0xb8: {  	v18 =	vld [tilespmem:s4+$0x30]  }
0xb9: {  	v56 =	vld [tilespmem:s4+$0xFFFFFFC0]  }
0xba: {  	v8 =	vld.idx.msk [tilespmem:v1+s7+$0x0], $0xffff  }
0xbb: {  	v9 =	vld.idx.msk [tilespmem:v0+s7+$0x0], $0xffff  }
0xbc: {  	v0 =	vld [tilespmem:s17+$0x20]  }
0xbd: {  	v2 =	vld.idx.msk [tilespmem:v2+s7+$0x0], $0xffff  }
0xbe: {  	v47 =	vld.idx.msk [tilespmem:v3+s7+$0x0], $0xffff  }
0xbf: {  	v4 =	vld.idx.msk [tilespmem:v4+s7+$0x0], $0xffff  }
0xc0: {  	v17 =	vld.idx.msk [tilespmem:v5+s7+$0x0], $0xffff  }
0xc1: {  	v6 =	vld.idx.msk [tilespmem:v6+s7+$0x0], $0xffff  }
0xc2: {  	v19 =	vld.idx.msk [tilespmem:v46+s7+$0x0], $0xffff;
	v15 =	vand.u32 $0xFFFFFF80, v9;
	v8 =	vshll.u32 v8, $0x7  }
0xc3: {  	v20 =	vld.idx.msk [tilespmem:v7+s7+$0x0], $0xffff;
	v9 =	vand.u32 $0x7F, v9;
	v8 =	vadd.s32 v8, v15  }
0xc4: {  	v10 =	vld.idx.msk [tilespmem:v10+s7+$0x0], $0xffff;
	v8 =	vor.u32 v9, v8  }
0xc5: {  	v48 =	vld.idx.msk [tilespmem:v11+s7+$0x0], $0xffff;
	v21 =	vand.u32 $0xFFFFFF80, v4;
	v4 =	vand.u32 $0x7F, v4  }
0xc6: {  	v49 =	vld.idx.msk [tilespmem:v12+s7+$0x0], $0xffff;
	v17 =	vshll.u32 v17, $0x7;
	v50 =	vand.u32 $0xFFFFFF80, v6;
	v51 =	vand.u32 $0xFFFFFF80, v2  }
0xc7: {  	s8 =	smulhi.u32 $0xAAAAAAAB, s0;
	v22 =	vld.idx.msk [tilespmem:v13+s7+$0x0], $0xffff;
	v6 =	vand.u32 $0x7F, v6;
	v12 =	vadd.s32 v17, v50;
	v9 =	vshll.u32 v47, $0x7  }
0xc8: {  	v14 =	vld.idx.msk [tilespmem:v14+s7+$0x0], $0xffff;
	v19 =	vshll.u32 v19, $0x7;
	v6 =	vor.u32 v6, v12;
	v9 =	vadd.s32 v9, v21  }
0xc9: {  	s8 =	sshrl.u32 s8, $0x1;
	v2 =	vand.u32 $0x7F, v2;
	v17 =	vadd.s32 v19, v51;
	v4 =	vor.u32 v4, v9;
	v8 =	vld.idx.msk [tilespmem:v8+s20+$0x0], $0xffff  }
0xca: {  	s16 =	smul.u32 $0xFFFFD000, s8;
	v16 =	vld.idx.msk [tilespmem:v16+s7+$0x0], $0xffff;
	v2 =	vor.u32 v2, v17  }
0xcb: {  	v53 =	vshll.u32 v20, $0x7;
	v54 =	vand.u32 $0xFFFFFF80, v10;
	v10 =	vand.u32 $0x7F, v10;
	v52 =	vld.idx.msk [tilespmem:v0+s7+$0x0], $0xffff  }
0xcc: {  	s16 =	sshra.s32 s16, $0x2;
	v58 =	vld [tilespmem:s4+$0xFFFFFFD0];
	v55 =	vshll.u32 v48, $0x7;
	v57 =	vand.u32 $0xFFFFFF80, v49;
	v17 =	vadd.s32 v53, v54  }
0xcd: {  	s28 =	sadd.s32 s16, s31;
	v59 =	vshll.u32 v22, $0x7;
	v60 =	vand.u32 $0xFFFFFF80, v14;
	v10 =	vor.u32 v10, v17;
	v6 =	vld.idx.msk [tilespmem:v6+s20+$0x0], $0xffff  }
0xce: {  	v17 =	vadd.s32 v55, v57;
	v9 =	vand.u32 $0x7F, v49;
	[tilespmem:s28+$0x70] =	vst v1;
	v4 =	vld.idx.msk [tilespmem:v4+s20+$0x0], $0xffff;
	v8 =	vmul.f32 v8, v18  }
0xcf: {  	s26 =	sadd.s32 s16, s30;
	v9 =	vor.u32 v9, v17;
	v1 =	vand.u32 $0x7F, v14;
	v61 =	vld.idx.msk [tilespmem:v2+s20+$0x0], $0xffff;
	v2 =	vadd.s32 v59, v60;
	[tilespmem:s28+$0x10] =	vst v3  }
0xd0: {  	v2 =	vor.u32 v1, v2;
	v1 =	vshll.u32 v52, $0x7;
	v3 =	vand.u32 $0xFFFFFF80, v16;
	[tilespmem:s26+$0x70] =	vst v8;
	v8 =	vld [tilespmem:s4+$0xFFFFFFE0]  }
0xd1: {  	v63 =	vld [tilespmem:s4+$0xFFFFFFF0];
	v62 =	vand.u32 $0x7F, v16;
	[tilespmem:s28+$0x0] =	vst v46;
	v1 =	vadd.s32 v1, v3  }
0xd2: {  	v10 =	vld.idx.msk [tilespmem:v10+s20+$0x0], $0xffff;
	[tilespmem:s28+$0x20] =	vst v5;
	v5 =	vor.u32 v62, v1  }
0xd3: {  	[tilespmem:s28+$0x30] =	vst v7;
	v3 =	vld [tilespmem:s4+$0x0];
	v4 =	vmul.f32 v4, v58  }
0xd4: {  	v1 =	vld.idx.msk [tilespmem:v9+s20+$0x0], $0xffff;
	[tilespmem:s28+$0x40] =	vst v11  }
0xd5: {  	s8 =	smul.u32 $0x3, s8;
	v2 =	vld.idx.msk [tilespmem:v2+s20+$0x0], $0xffff;
	[tilespmem:s26+$0x10] =	vst v4;
	v6 =	vmul.f32 v6, v8  }
0xd6: {  	v4 =	vld [tilespmem:s4+$0x10];
	[tilespmem:s28+$0x50] =	vst v13;
	v8 =	vmul.f32 v61, v56  }
0xd7: {  	s8 =	ssub.s32 s0, s8;
	v7 =	vmul.f32 v10, v63;
	v5 =	vld.idx.msk [tilespmem:v5+s20+$0x0], $0xffff;
	[tilespmem:s26+$0x20] =	vst v6  }
0xd8: {  	s8 =	sshll.u32 s8, $0xA;
	s16 =	simm.s32 $0x0;
	s17 =	sadd.s32 $0x100, s17;
	[tilespmem:s26+$0x0] =	vst v8;
	v6 =	vld [tilespmem:s4+$0x20]  }
.LBB2_5:
0xd9: {  	v8 =	vld [tilespmem:s17+$0x30];
	[tilespmem:s26+$0x30] =	vst v7;
	v1 =	vmul.f32 v1, v3;
	s3 =	sadd.s32 $0x100, s3  }
0xda: {  	s16 =	sadd.s32 $0x80, s16;
	v3 =	vld [tilespmem:s3+$0x30];
	[tilespmem:s28+$0x60] =	vst v0  }
0xdb: {  	p1 =	slt.u32 s16, $0x380;
	v7 =	vld [tilespmem:s3+$0xFFFFFFC0];
	[tilespmem:s26+$0x40] =	vst v1;
	v0 =	vmul.f32 v2, v4  }
0xdc: {  	v1 =	vld [tilespmem:s17+$0xFFFFFFD0]  }
0xdd: {  	v2 =	vld [tilespmem:s3+$0xFFFFFFD0];
	[tilespmem:s26+$0x50] =	vst v0;
	v0 =	vmul.f32 v5, v6  }
0xde: {  	v4 =	vld [tilespmem:s17+$0xFFFFFFE0]  }
0xdf: {  	v5 =	vld [tilespmem:s3+$0xFFFFFFE0];
	[tilespmem:s26+$0x60] =	vst v0  }
0xe0: {  	v6 =	vld [tilespmem:s17+$0xFFFFFFF0]  }
0xe1: {  	v9 =	vld.idx.msk [tilespmem:v8+s7+$0x0], $0xffff  }
0xe2: {  	v3 =	vld.idx.msk [tilespmem:v3+s7+$0x0], $0xffff  }
0xe3: {  	v10 =	vld [tilespmem:s3+$0xFFFFFFF0]  }
0xe4: {  	v11 =	vld [tilespmem:s17+$0x0]  }
0xe5: {  	v12 =	vld [tilespmem:s3+$0x0]  }
0xe6: {  	v13 =	vld [tilespmem:s17+$0x10]  }
0xe7: {  	v14 =	vld [tilespmem:s3+$0x10]  }
0xe8: {  	v9 =	vshll.u32 v9, $0x7;
	v15 =	vand.u32 $0xFFFFFF80, v3;
	v0 =	vld [tilespmem:s17+$0x20]  }
0xe9: {  	v3 =	vand.u32 $0x7F, v3;
	v9 =	vadd.s32 v9, v15;
	v16 =	vld [tilespmem:s3+$0x20]  }
0xea: {  	v3 =	vor.u32 v3, v9;
	v15 =	vld [tilespmem:s17+$0xFFFFFFC0]  }
0xeb: {  	v7 =	vld.idx.msk [tilespmem:v7+s7+$0x0], $0xffff  }
0xec: {  	v9 =	vld.idx.msk [tilespmem:v1+s7+$0x0], $0xffff  }
0xed: {  	v2 =	vld.idx.msk [tilespmem:v2+s7+$0x0], $0xffff  }
0xee: {  	v17 =	vld.idx.msk [tilespmem:v4+s7+$0x0], $0xffff  }
0xef: {  	s4 =	sadd.s32 $0x100, s4;
	v3 =	vld.idx.msk [tilespmem:v3+s20+$0x0], $0xffff  }
0xf0: {  	v18 =	vld [tilespmem:s4+$0x30]  }
0xf1: {  	v19 =	vand.u32 $0xFFFFFF80, v7;
	v7 =	vand.u32 $0x7F, v7;
	v5 =	vld.idx.msk [tilespmem:v5+s7+$0x0], $0xffff  }
0xf2: {  	v9 =	vshll.u32 v9, $0x7;
	v20 =	vld.idx.msk [tilespmem:v15+s7+$0x0], $0xffff  }
0xf3: {  	v21 =	vand.u32 $0xFFFFFF80, v2;
	v2 =	vand.u32 $0x7F, v2;
	v22 =	vld.idx.msk [tilespmem:v6+s7+$0x0], $0xffff  }
0xf4: {  	v9 =	vadd.s32 v9, v21;
	v17 =	vshll.u32 v17, $0x7;
	v10 =	vld.idx.msk [tilespmem:v10+s7+$0x0], $0xffff  }
0xf5: {  	s28 =	sadd.s32 $0x80, s28;
	v2 =	vor.u32 v2, v9;
	v9 =	vld.idx.msk [tilespmem:v11+s7+$0x0], $0xffff;
	v3 =	vmul.f32 v3, v18  }
0xf6: {  	s26 =	sadd.s32 $0x80, s26;
	v12 =	vld.idx.msk [tilespmem:v12+s7+$0x0], $0xffff;
	[tilespmem:s28+$0x70] =	vst v8  }
0xf7: {  	v8 =	vand.u32 $0xFFFFFF80, v5;
	v5 =	vand.u32 $0x7F, v5;
	v18 =	vld.idx.msk [tilespmem:v13+s7+$0x0], $0xffff;
	[tilespmem:s26+$0x70] =	vst v3  }
0xf8: {  	v3 =	vshll.u32 v20, $0x7;
	v8 =	vadd.s32 v17, v8;
	v14 =	vld.idx.msk [tilespmem:v14+s7+$0x0], $0xffff  }
0xf9: {  	v3 =	vadd.s32 v3, v19;
	v5 =	vor.u32 v5, v8;
	v8 =	vshll.u32 v22, $0x7;
	v17 =	vld.idx.msk [tilespmem:v0+s7+$0x0], $0xffff  }
0xfa: {  	v3 =	vor.u32 v7, v3;
	v7 =	vand.u32 $0xFFFFFF80, v10;
	v10 =	vand.u32 $0x7F, v10;
	v16 =	vld.idx.msk [tilespmem:v16+s7+$0x0], $0xffff  }
0xfb: {  	v7 =	vadd.s32 v8, v7;
	v8 =	vshll.u32 v9, $0x7;
	v2 =	vld.idx.msk [tilespmem:v2+s20+$0x0], $0xffff  }
0xfc: {  	v7 =	vor.u32 v10, v7;
	v10 =	vand.u32 $0xFFFFFF80, v12;
	v12 =	vand.u32 $0x7F, v12;
	v9 =	vld [tilespmem:s4+$0xFFFFFFC0]  }
0xfd: {  	v19 =	vld [tilespmem:s4+$0xFFFFFFD0];
	[tilespmem:s28+$0x10] =	vst v1;
	v1 =	vadd.s32 v8, v10;
	v8 =	vshll.u32 v18, $0x7  }
0xfe: {  	v10 =	vand.u32 $0xFFFFFF80, v14;
	v5 =	vld.idx.msk [tilespmem:v5+s20+$0x0], $0xffff;
	v1 =	vor.u32 v12, v1;
	v12 =	vand.u32 $0x7F, v14  }
0xff: {  	v14 =	vld.idx.msk [tilespmem:v3+s20+$0x0], $0xffff;
	[tilespmem:s28+$0x0] =	vst v15;
	v3 =	vadd.s32 v8, v10;
	v8 =	vshll.u32 v17, $0x7  }
0x100: {  	v10 =	vld [tilespmem:s4+$0xFFFFFFE0];
	[tilespmem:s28+$0x20] =	vst v4;
	v4 =	vor.u32 v12, v3;
	v3 =	vand.u32 $0xFFFFFF80, v16;
	v12 =	vand.u32 $0x7F, v16  }
0x101: {  	v7 =	vld.idx.msk [tilespmem:v7+s20+$0x0], $0xffff;
	v3 =	vadd.s32 v8, v3  }
0x102: {  	v2 =	vmul.f32 v2, v19;
	v8 =	vld [tilespmem:s4+$0xFFFFFFF0];
	[tilespmem:s28+$0x30] =	vst v6;
	v6 =	vor.u32 v12, v3  }
0x103: {  	v1 =	vld.idx.msk [tilespmem:v1+s20+$0x0], $0xffff  }
.Ltmp1:
0x104: {  	[tilespmem:s26+$0x10] =	vst v2;
	v3 =	vld [tilespmem:s4+$0x0];
	(pc) =	sbr.rel @p1 .LBB2_5-.Ltmp1, $4  }
0x105: {  	v9 =	vmul.f32 v14, v9;
	v5 =	vmul.f32 v5, v10;
	[tilespmem:s28+$0x40] =	vst v11;
	v2 =	vld.idx.msk [tilespmem:v4+s20+$0x0], $0xffff  }
0x106: {  	v4 =	vld [tilespmem:s4+$0x10];
	[tilespmem:s28+$0x50] =	vst v13  }
0x107: {  	[tilespmem:s26+$0x20] =	vst v5;
	v7 =	vmul.f32 v7, v8;
	v5 =	vld.idx.msk [tilespmem:v6+s20+$0x0], $0xffff  }
0x108: {  	s17 =	sadd.s32 $0x100, s17;
	[tilespmem:s26+$0x0] =	vst v9;
	v6 =	vld [tilespmem:s4+$0x20]  }
0x109: {  	_ =	sdelay $0x1  }
0x10a: {  	[tilespmem:s26+$0x30] =	vst v7;
	v1 =	vmul.f32 v1, v3  }
0x10b: {  	[tilespmem:s28+$0x60] =	vst v0;
	v62 =	vmul.f32 v2, v4  }
0x10c: {  	[tilespmem:s26+$0x40] =	vst v1;
	v63 =	vmul.f32 v5, v6  }
0x10d: {  	[tilespmem:s26+$0x50] =	vst v62  }
0x10e: {  	s3 =	sadd.s32 $0x1CB00, s8;
	s4 =	sadd.s32 $0x1BF00, s8;
	[tilespmem:s26+$0x60] =	vst v63  }
0x10f: {  	[spmem:s6] =	stream.indirect.scatter.add.f32 [tilespmem:s3], [sflag:$0x2], $0x1, s4, s23, $0xb8;
	[tilespmem:$0x1EF80] =	vst v63  }
0x110: {  	s28 =	sadd.s32 $0x1BF80, s8;
	s26 =	sadd.s32 $0x1CB80, s8  }
0x111: {  	[spmem:s6] =	stream.indirect.scatter.add.f32 [tilespmem:s26], [sflag:$0x2], $0x1, s28, s23, $0xb8;
	[tilespmem:$0x1EF80] =	vst v63  }
0x112: {  	s16 =	sadd.s32 $0x1CC00, s8;
	s17 =	sadd.s32 $0x1C000, s8  }
0x113: {  	[spmem:s6] =	stream.indirect.scatter.add.f32 [tilespmem:s16], [sflag:$0x2], $0x1, s17, s23, $0xb8;
	[tilespmem:$0x1EF80] =	vst v63  }
0x114: {  	s26 =	sadd.s32 $0x1CC80, s8;
	s28 =	sadd.s32 $0x1C080, s8  }
0x115: {  	[spmem:s6] =	stream.indirect.scatter.add.f32 [tilespmem:s26], [sflag:$0x2], $0x1, s28, s23, $0xb8;
	[tilespmem:$0x1EF80] =	vst v63  }
0x116: {  	s16 =	sadd.s32 $0x1CD00, s8;
	s17 =	sadd.s32 $0x1C100, s8  }
0x117: {  	[spmem:s6] =	stream.indirect.scatter.add.f32 [tilespmem:s16], [sflag:$0x2], $0x1, s17, s23, $0xb8;
	[tilespmem:$0x1EF80] =	vst v63  }
0x118: {  	p1 =	sne.s32 s0, s10;
	s26 =	sadd.s32 $0x1CD80, s8;
	s28 =	sadd.s32 $0x1C180, s8  }
0x119: {  	[spmem:s6] =	stream.indirect.scatter.add.f32 [tilespmem:s26], [sflag:$0x2], $0x1, s28, s23, $0xb8;
	[tilespmem:$0x1EF80] =	vst v63  }
.Ltmp2:
0x11a: {  	s30 =	sadd.s32 $0x400, s30;
	s31 =	sadd.s32 $0x400, s31;
	(pc) =	sbr.rel @p1 .LBB2_2-.Ltmp2, $4  }
0x11b: {  	p0 =	por !p0, !p0;
	s16 =	sadd.s32 $0x1CE00, s8;
	s17 =	sadd.s32 $0x1C200, s8  }
0x11c: {  	[spmem:s6] =	stream.indirect.scatter.add.f32 [tilespmem:s16], [sflag:$0x2], $0x1, s17, s23, $0xb8;
	[tilespmem:$0x1EF80] =	vst v63  }
0x11d: {  	s0 =	smov.u32 s5;
	s26 =	sadd.s32 $0x1CE80, s8;
	s28 =	sadd.s32 $0x1C280, s8  }
0x11e: {  	[spmem:s6] =	stream.indirect.scatter.add.f32 [tilespmem:s26], [sflag:$0x2], $0x1, s28, s23, $0xb8;
	[tilespmem:$0x1EF80] =	vst v63  }
0x11f: {  	_ =	swait.ge [sflag:s25], $0x80  }
0x120: {  	[sflag:s25] =	ssyncset.done $0x0  }
0x121: {  	[sflag:s25] =	ssyncadd.s32 $0xFFFFFF80  }
0x122: {  	_ =	swait.ge [sflag:s25], $0x80  }
0x123: {  	[sflag:s25] =	ssyncset.done $0x0  }
0x124: {  	[sflag:s25] =	ssyncadd.s32 $0xFFFFFF80  }
0x125: {  	_ =	swait.ge [sflag:s25], $0x80  }
0x126: {  	[sflag:s25] =	ssyncset.done $0x0  }
0x127: {  	[sflag:s25] =	ssyncadd.s32 $0xFFFFFF80  }
0x128: {  	_ =	swait.ge [sflag:s25], $0x80  }
0x129: {  	[sflag:s25] =	ssyncset.done $0x0  }
0x12a: {  	[sflag:s25] =	ssyncadd.s32 $0xFFFFFF80  }
0x12b: {  	_ =	swait.ge [sflag:s25], $0x80  }
0x12c: {  	[sflag:s25] =	ssyncset.done $0x0  }
0x12d: {  	[sflag:s25] =	ssyncadd.s32 $0xFFFFFF80  }
0x12e: {  	_ =	swait.ge [sflag:s25], $0x80  }
0x12f: {  	[sflag:s25] =	ssyncset.done $0x0  }
0x130: {  	[sflag:s25] =	ssyncadd.s32 $0xFFFFFF80  }
0x131: {  	_ =	swait.ge [sflag:s25], $0x80  }
0x132: {  	[sflag:s25] =	ssyncset.done $0x0  }
0x133: {  	[sflag:s25] =	ssyncadd.s32 $0xFFFFFF80  }
0x134: {  	_ =	swait.ge [sflag:s25], $0x80  }
0x135: {  	[sflag:s25] =	ssyncset.done $0x0  }
0x136: {  	[sflag:s25] =	ssyncadd.s32 $0xFFFFFF80  }
0x137: {  	_ =	swait.ge [sflag:s25], $0x80  }
0x138: {  	[sflag:s25] =	ssyncset.done $0x0  }
0x139: {  	[sflag:s25] =	ssyncadd.s32 $0xFFFFFF80  }
0x13a: {  	_ =	swait.ge [sflag:s25], $0x80  }
0x13b: {  	[sflag:s25] =	ssyncset.done $0x0  }
0x13c: {  	[sflag:s25] =	ssyncadd.s32 $0xFFFFFF80  }
0x13d: {  	_ =	swait.ge [sflag:s25], $0x80  }
0x13e: {  	[sflag:s25] =	ssyncset.done $0x0  }
0x13f: {  	[sflag:s25] =	ssyncadd.s32 $0xFFFFFF80  }
0x140: {  	_ =	swait.ge [sflag:s25], $0x80  }
0x141: {  	[sflag:s25] =	ssyncset.done $0x0  }
0x142: {  	[sflag:s25] =	ssyncadd.s32 $0xFFFFFF80  }
0x143: {  	_ =	swait.ge [sflag:s25], $0x80  }
0x144: {  	[sflag:s25] =	ssyncset.done $0x0  }
0x145: {  	[sflag:s25] =	ssyncadd.s32 $0xFFFFFF80  }
0x146: {  	_ =	swait.ge [sflag:s25], $0x80  }
0x147: {  	[sflag:s25] =	ssyncset.done $0x0  }
0x148: {  	[sflag:s25] =	ssyncadd.s32 $0xFFFFFF80  }
0x149: {  	_ =	swait.ge [sflag:s25], $0x80  }
0x14a: {  	[sflag:s25] =	ssyncset.done $0x0  }
0x14b: {  	[sflag:s25] =	ssyncadd.s32 $0xFFFFFF80  }
0x14c: {  	_ =	swait.ge [sflag:s25], $0x80  }
0x14d: {  	[sflag:s25] =	ssyncset.done $0x0  }
0x14e: {  	[sflag:s25] =	ssyncadd.s32 $0xFFFFFF80  }
0x14f: {  	[bflag:$0x0] =	sbarrier.arrive $0xFFFF  }
0x150: {  	s3 =	simm.s32 $0x20;
	s4 =	simm.s32 $0x10;
	s0 =	rddreg [dreg:$0x8]  }
0x151: {  	[hbm:s0@s3], [sflag:s9] =	dma.strided [spmem:s18@s4], $0x310, s21, $0x10   }
0x152: {  	_ =	swait.ge [sflag:s19], $0x310  }
0x153: {  	s29 =	sadd.s32 $0x1, s29;
	s31 =	rddreg [dreg:$0x9]  }
0x154: {  	p0 =	sne.s32 s29, s31  }
.Ltmp3:
0x155: {  	_ = 	snop;
	(pc) =	sbr.rel @p0 .LBB2_1-.Ltmp3, $3  }
0x156: {  	_ =	sdelay $0x1  }
0x157: {  	[sflag:s19] =	ssyncset.done $0x0  }
0x158: {  	[sflag:s19] =	ssyncadd.s32 $0xFFFFFCF0  }
0x159: {  	_ =	sfence.sel $0x180000  }
0x15a: {  	[bflag:$0x0] =	sbarrier.arrive $0xFFFF  }
0x15b: {  	_ =	strace $0x90000047  }
0x15c: {  	s0 =	stileid.u32;
	[bflag:$0x2] =	sbarrier.arrive $0xFFFF  }
0x15d: {  	p0 =	sne.s32 s0, $0x0;
	s0 =	rddreg [dreg:$0x6]  }
0x15e: {  	s0 =	sadd.s32 @!p0 $0x100000, s0  }
0x15f: {  	[sflag:s0] =	ssyncadd.tile.s32 @!p0 $0x1;
	_ =	shalt  }
.Lfunc_end2:
_tile_overlayer_lowered:
.L_overlay_start_2:
0x160: {  	(tag) =	ssettag $0x2  }
0x161: {  	s0 =	rddreg [dreg:$0x0];
	s2 =	stileid.u32  }
0x162: {  	s1 =	rddreg [dreg:$0x1];
	p0 =	sne.s32 s2, $0x0  }
0x163: {  	s3 =	rddreg [dreg:$0x2];
	[bflag:$0x3] =	sbarrier.arrive $0xFFFF;
	s2 =	simm.s32 @!p0 $0x1C03  }
0x164: {  	[timem:s3], [sflag:s2] =	dma.local @!p0 [hbm:s0], s1  }
0x165: {  	s0 =	simm.s32 @!p0 $0x3  }
0x166: {  	_ =	swait.ge @!p0 [sflag:s0], s1  }
0x167: {  	s1 =	ssub.s32 @!p0 $0x0, s1;
	[sflag:s0] =	ssyncset.done @!p0 $0x0  }
0x168: {  	[sflag:s0] =	ssyncadd.s32 @!p0 s1  }
0x169: {  	[bflag:$0x3] =	sbarrier.arrive $0xFFFF  }
0x16a: {  	_ =	shalt  }

</sc_bundles>
